<compile_context>
chip_gen: v7x
topology: tpu7x:2x2x1
jax: 0.10.2.dev20260603
libtpu: 0.0.44.dev20260713+nightly
codegen_flags: <defaults>
</compile_context>

<pallas_src>
import jax
import jax.numpy as jnp
from jax import lax
from jax.experimental import pallas as pl
from jax.experimental.pallas import tpu as pltpu
from jax.experimental.pallas import tpu_sc as plsc
import functools

B = 4096
L = 200
C = 128
NW = 32
ROWS = B // NW
RW = C * L
LCHUNKS = (L + 15) // 16

_mesh = plsc.VectorSubcoreMesh(
    core_axis_name="c", subcore_axis_name="s", num_cores=2, num_subcores=16
)


@functools.partial(
    pl.kernel,
    out_type=jax.ShapeDtypeStruct((B, L, C), jnp.float32),
    mesh=_mesh,
    compiler_params=pltpu.CompilerParams(needs_layout_passes=False),
    scratch_types=[
        pltpu.VMEM((L, ROWS), jnp.int32),
        pltpu.VMEM((L, C), jnp.float32),
        pltpu.VMEM((L, C), jnp.float32),
        pltpu.SemaphoreType.DMA,
        pltpu.SemaphoreType.DMA,
    ],
)
def _onehot_sc(xt_hbm, out_hbm, xref, buf0, buf1, sem0, sem1):
    cid = lax.axis_index("c")
    sid = lax.axis_index("s")
    wid = sid * 2 + cid
    b0 = wid * ROWS

    pltpu.sync_copy(xt_hbm.at[:, pl.ds(b0, ROWS)], xref)

    zeros16 = jnp.zeros((16,), jnp.float32)
    ones16 = jnp.ones((16,), jnp.float32)
    iota = lax.iota(jnp.int32, 16)

    def zero_fill(buf):
        @pl.loop(0, L)
        def _zero(l):
            for i in range(C // 16):
                buf[l, pl.ds(i * 16, 16)] = zeros16

    def scatter_row(r, buf, val):
        rvec = iota * 0 + r
        for i in range(LCHUNKS):
            off = min(i * 16, L - 16)
            lvec = iota + off
            cvec = plsc.load_gather(xref, [lvec, rvec])
            plsc.store_scatter(buf, [lvec, cvec], val)

    def dma_out(buf, r, sem):
        pltpu.async_copy(buf, out_hbm.at[b0 + r], sem)

    def wait_out(buf, sem):
        pltpu.make_async_copy(buf, out_hbm.at[b0], sem).wait()

    zero_fill(buf0)
    scatter_row(0, buf0, ones16)
    dma_out(buf0, 0, sem0)
    zero_fill(buf1)
    scatter_row(1, buf1, ones16)
    dma_out(buf1, 1, sem1)

    @pl.loop(1, ROWS // 2)
    def _main(rp):
        r0 = rp * 2
        r1 = r0 + 1
        wait_out(buf0, sem0)
        scatter_row(r0 - 2, buf0, zeros16)
        scatter_row(r0, buf0, ones16)
        dma_out(buf0, r0, sem0)
        wait_out(buf1, sem1)
        scatter_row(r1 - 2, buf1, zeros16)
        scatter_row(r1, buf1, ones16)
        dma_out(buf1, r1, sem1)

    wait_out(buf0, sem0)
    wait_out(buf1, sem1)


def kernel(x):
    return jnp.swapaxes(_onehot_sc(x.T), 1, 2)

# --- scband reference (transcript-rebuilt; emitter-appended) ---
"""Pipeline reference for scband-one-hot-transform-4020089389465 (READ-ONLY COPY).

The authoritative reference and input builder live on the scoring server;
editing this copy changes nothing except your own understanding.
"""

import jax, jax.numpy as jnp
import numpy as np

NUM_BITS = 7

def setup_inputs(seed: int = 0) -> dict:
    key = jax.random.key(seed)
    x = jax.random.randint(key, (4096, 200), 0, 2 ** NUM_BITS, dtype=jnp.int32)
    return {"x": x}

def reference(x):
    # Faithful translation of OneHotTransform.forward:
    #   x -> long; y = zeros(B, 2**num_bits, L); y.scatter_(1, x.unsqueeze(1), 1)
    B, L = x.shape
    C = 2 ** NUM_BITS
    y = jnp.zeros((B, C, L), dtype=jnp.float32)
    b_idx = jnp.arange(B)[:, None]
    l_idx = jnp.arange(L)[None, :]
    y = y.at[b_idx, x, l_idx].set(1.0)
    return y

if __name__ == "__main__":
    import jax
    _d = setup_inputs()
    print(jax.jit(kernel)(*tuple(_d.values())))

</pallas_src>

<mosaic_0001>
#map = affine_map<(d0, d1) -> (0, 0)>
#map1 = affine_map<(d0, d1) -> (0, 0, 0)>
module attributes {stable_mosaic.version = 14 : i64} {
  func.func @_onehot_sc(%arg0: i32, %arg1: i32, %arg2: memref<200x4096xi32, #tpu.memory_space<hbm>>, %arg3: memref<4096x200x128xf32, #tpu.memory_space<hbm>>, %arg4: memref<200x128xi32, #tpu.memory_space<vmem>>, %arg5: memref<200x128xf32, #tpu.memory_space<vmem>>, %arg6: memref<200x128xf32, #tpu.memory_space<vmem>>, %arg7: memref<!tpu.dma_semaphore, #tpu.memory_space<semaphore_mem>>, %arg8: memref<!tpu.dma_semaphore, #tpu.memory_space<semaphore_mem>>) attributes {dimension_semantics = [#tpu.dimension_semantics<core_parallel>, #tpu.dimension_semantics<subcore_parallel>], iteration_bounds = array<i64: 2, 16>, scalar_prefetch = 0 : i64, scratch_operands = 5 : i64, tpu.core_type = #tpu.core_type<sc_vector_subcore>, window_params = [{transform_indices = #map}, {transform_indices = #map1}]} {
    %mul3A = arith.constant 2 : i32
    %mul3A_0 = arith.muli %arg1, %mul3A : i32
    %add3A = arith.addi %mul3A_0, %arg0 : i32
    %mul3A_1 = arith.constant 128 : i32
    %mul3A_2 = arith.muli %add3A, %mul3A_1 : i32
    "tpu.region"() ({
      %run_scoped3A = tpu.sem_alloc : memref<!tpu.dma_semaphore, #tpu.memory_space<semaphore_mem>>
      %dma_start3A_169 = arith.constant 0 : i32
      %dma_start3A_170 = tpu.memref_slice %arg2[%dma_start3A_169, %mul3A_2] : memref<200x4096xi32, #tpu.memory_space<hbm>> -> memref<200x128xi32, #tpu.memory_space<hbm>>
      %dma_start3A_171 = arith.constant 0 : i32
      %dma_start3A_172 = tpu.memref_slice %arg2[%dma_start3A_171, %mul3A_2] : memref<200x4096xi32, #tpu.memory_space<hbm>> -> memref<200x128xi32, #tpu.memory_space<hbm>>
      tpu.enqueue_dma source(%dma_start3A_172 : memref<200x128xi32, #tpu.memory_space<hbm>>) target(%arg4 : memref<200x128xi32, #tpu.memory_space<vmem>>) target_semaphore(%run_scoped3A : memref<!tpu.dma_semaphore, #tpu.memory_space<semaphore_mem>>)
      %dma_wait3A_173 = arith.constant 0 : i32
      %dma_wait3A_174 = tpu.memref_slice %arg2[%dma_wait3A_173, %mul3A_2] : memref<200x4096xi32, #tpu.memory_space<hbm>> -> memref<200x128xi32, #tpu.memory_space<hbm>>
      %dma_wait3A_175 = arith.constant 0 : i32
      %dma_wait3A_176 = tpu.memref_slice %arg2[%dma_wait3A_175, %mul3A_2] : memref<200x4096xi32, #tpu.memory_space<hbm>> -> memref<200x128xi32, #tpu.memory_space<hbm>>
      tpu.wait_dma2 semaphore(%run_scoped3A : memref<!tpu.dma_semaphore, #tpu.memory_space<semaphore_mem>>) src(%dma_wait3A_176 : memref<200x128xi32, #tpu.memory_space<hbm>>) dst(%arg4 : memref<200x128xi32, #tpu.memory_space<vmem>>)
      tpu.yield
    }) : () -> ()
    %broadcast_in_dim3A = arith.constant 0.000000e+00 : f32
    %broadcast_in_dim3A_3 = vector.broadcast %broadcast_in_dim3A : f32 to vector<16xf32>
    %broadcast_in_dim3A_4 = arith.constant 1.000000e+00 : f32
    %broadcast_in_dim3A_5 = vector.broadcast %broadcast_in_dim3A_4 : f32 to vector<16xf32>
    %iota3A = tpu.iota {dimensions = array<i32: 0>} : vector<16xi32>
    %scan3A = arith.constant 0 : i32
    %scan3A_6 = arith.constant 200 : i32
    %scan3A_7 = arith.addi %scan3A, %scan3A_6 : i32
    %scan3A_8 = arith.constant 1 : i32
    scf.for %scan3A_169 = %scan3A to %scan3A_7 step %scan3A_8  : i32 {
      %mul3A_170 = arith.constant 1 : i32
      %mul3A_171 = arith.muli %scan3A_169, %mul3A_170 : i32
      %add3A_172 = arith.constant 0 : i32
      %add3A_173 = arith.addi %add3A_172, %mul3A_171 : i32
      %swap3A = arith.index_cast %add3A_173 : i32 to index
      %swap3A_174 = arith.constant 0 : index
      %swap3A_175 = tpu.vector_load %arg5[%swap3A, %swap3A_174] {strides = array<i32>} : memref<200x128xf32, #tpu.memory_space<vmem>>, vector<16xf32>,
      tpu.vector_store %arg5[%swap3A, %swap3A_174], %broadcast_in_dim3A_3 {strides = array<i32>} : memref<200x128xf32, #tpu.memory_space<vmem>>, vector<16xf32>,
      %swap3A_176 = arith.index_cast %add3A_173 : i32 to index
      %swap3A_177 = arith.constant 16 : index
      %swap3A_178 = tpu.vector_load %arg5[%swap3A_176, %swap3A_177] {strides = array<i32>} : memref<200x128xf32, #tpu.memory_space<vmem>>, vector<16xf32>,
      tpu.vector_store %arg5[%swap3A_176, %swap3A_177], %broadcast_in_dim3A_3 {strides = array<i32>} : memref<200x128xf32, #tpu.memory_space<vmem>>, vector<16xf32>,
      %swap3A_179 = arith.index_cast %add3A_173 : i32 to index
      %swap3A_180 = arith.constant 32 : index
      %swap3A_181 = tpu.vector_load %arg5[%swap3A_179, %swap3A_180] {strides = array<i32>} : memref<200x128xf32, #tpu.memory_space<vmem>>, vector<16xf32>,
      tpu.vector_store %arg5[%swap3A_179, %swap3A_180], %broadcast_in_dim3A_3 {strides = array<i32>} : memref<200x128xf32, #tpu.memory_space<vmem>>, vector<16xf32>,
      %swap3A_182 = arith.index_cast %add3A_173 : i32 to index
      %swap3A_183 = arith.constant 48 : index
      %swap3A_184 = tpu.vector_load %arg5[%swap3A_182, %swap3A_183] {strides = array<i32>} : memref<200x128xf32, #tpu.memory_space<vmem>>, vector<16xf32>,
      tpu.vector_store %arg5[%swap3A_182, %swap3A_183], %broadcast_in_dim3A_3 {strides = array<i32>} : memref<200x128xf32, #tpu.memory_space<vmem>>, vector<16xf32>,
      %swap3A_185 = arith.index_cast %add3A_173 : i32 to index
      %swap3A_186 = arith.constant 64 : index
      %swap3A_187 = tpu.vector_load %arg5[%swap3A_185, %swap3A_186] {strides = array<i32>} : memref<200x128xf32, #tpu.memory_space<vmem>>, vector<16xf32>,
      tpu.vector_store %arg5[%swap3A_185, %swap3A_186], %broadcast_in_dim3A_3 {strides = array<i32>} : memref<200x128xf32, #tpu.memory_space<vmem>>, vector<16xf32>,
      %swap3A_188 = arith.index_cast %add3A_173 : i32 to index
      %swap3A_189 = arith.constant 80 : index
      %swap3A_190 = tpu.vector_load %arg5[%swap3A_188, %swap3A_189] {strides = array<i32>} : memref<200x128xf32, #tpu.memory_space<vmem>>, vector<16xf32>,
      tpu.vector_store %arg5[%swap3A_188, %swap3A_189], %broadcast_in_dim3A_3 {strides = array<i32>} : memref<200x128xf32, #tpu.memory_space<vmem>>, vector<16xf32>,
      %swap3A_191 = arith.index_cast %add3A_173 : i32 to index
      %swap3A_192 = arith.constant 96 : index
      %swap3A_193 = tpu.vector_load %arg5[%swap3A_191, %swap3A_192] {strides = array<i32>} : memref<200x128xf32, #tpu.memory_space<vmem>>, vector<16xf32>,
      tpu.vector_store %arg5[%swap3A_191, %swap3A_192], %broadcast_in_dim3A_3 {strides = array<i32>} : memref<200x128xf32, #tpu.memory_space<vmem>>, vector<16xf32>,
      %swap3A_194 = arith.index_cast %add3A_173 : i32 to index
      %swap3A_195 = arith.constant 112 : index
      %swap3A_196 = tpu.vector_load %arg5[%swap3A_194, %swap3A_195] {strides = array<i32>} : memref<200x128xf32, #tpu.memory_space<vmem>>, vector<16xf32>,
      tpu.vector_store %arg5[%swap3A_194, %swap3A_195], %broadcast_in_dim3A_3 {strides = array<i32>} : memref<200x128xf32, #tpu.memory_space<vmem>>, vector<16xf32>,
    }
    %scan3A_9 = arith.constant 200 : i32
    %mul3A_10 = arith.constant 0 : i32
    %mul3A_11 = vector.broadcast %mul3A_10 : i32 to vector<16xi32>
    %mul3A_12 = arith.muli %iota3A, %mul3A_11 : vector<16xi32>
    %add3A_13 = arith.constant 0 : i32
    %add3A_14 = vector.broadcast %add3A_13 : i32 to vector<16xi32>
    %add3A_15 = arith.addi %mul3A_12, %add3A_14 : vector<16xi32>
    %add3A_16 = arith.constant 0 : i32
    %add3A_17 = vector.broadcast %add3A_16 : i32 to vector<16xi32>
    %add3A_18 = arith.addi %iota3A, %add3A_17 : vector<16xi32>
    %gather3A = tpu.vector_load_idx %arg4[%add3A_18, %add3A_15] : memref<200x128xi32, #tpu.memory_space<vmem>>[vector<16xi32>, vector<16xi32>], vector<16xi32>,
    tpu.vector_store_idx %arg5[%add3A_18, %gather3A], %broadcast_in_dim3A_5 : memref<200x128xf32, #tpu.memory_space<vmem>>[vector<16xi32>, vector<16xi32>], vector<16xf32>,
    %add3A_19 = arith.constant 16 : i32
    %add3A_20 = vector.broadcast %add3A_19 : i32 to vector<16xi32>
    %add3A_21 = arith.addi %iota3A, %add3A_20 : vector<16xi32>
    %gather3A_22 = tpu.vector_load_idx %arg4[%add3A_21, %add3A_15] : memref<200x128xi32, #tpu.memory_space<vmem>>[vector<16xi32>, vector<16xi32>], vector<16xi32>,
    tpu.vector_store_idx %arg5[%add3A_21, %gather3A_22], %broadcast_in_dim3A_5 : memref<200x128xf32, #tpu.memory_space<vmem>>[vector<16xi32>, vector<16xi32>], vector<16xf32>,
    %add3A_23 = arith.constant 32 : i32
    %add3A_24 = vector.broadcast %add3A_23 : i32 to vector<16xi32>
    %add3A_25 = arith.addi %iota3A, %add3A_24 : vector<16xi32>
    %gather3A_26 = tpu.vector_load_idx %arg4[%add3A_25, %add3A_15] : memref<200x128xi32, #tpu.memory_space<vmem>>[vector<16xi32>, vector<16xi32>], vector<16xi32>,
    tpu.vector_store_idx %arg5[%add3A_25, %gather3A_26], %broadcast_in_dim3A_5 : memref<200x128xf32, #tpu.memory_space<vmem>>[vector<16xi32>, vector<16xi32>], vector<16xf32>,
    %add3A_27 = arith.constant 48 : i32
    %add3A_28 = vector.broadcast %add3A_27 : i32 to vector<16xi32>
    %add3A_29 = arith.addi %iota3A, %add3A_28 : vector<16xi32>
    %gather3A_30 = tpu.vector_load_idx %arg4[%add3A_29, %add3A_15] : memref<200x128xi32, #tpu.memory_space<vmem>>[vector<16xi32>, vector<16xi32>], vector<16xi32>,
    tpu.vector_store_idx %arg5[%add3A_29, %gather3A_30], %broadcast_in_dim3A_5 : memref<200x128xf32, #tpu.memory_space<vmem>>[vector<16xi32>, vector<16xi32>], vector<16xf32>,
    %add3A_31 = arith.constant 64 : i32
    %add3A_32 = vector.broadcast %add3A_31 : i32 to vector<16xi32>
    %add3A_33 = arith.addi %iota3A, %add3A_32 : vector<16xi32>
    %gather3A_34 = tpu.vector_load_idx %arg4[%add3A_33, %add3A_15] : memref<200x128xi32, #tpu.memory_space<vmem>>[vector<16xi32>, vector<16xi32>], vector<16xi32>,
    tpu.vector_store_idx %arg5[%add3A_33, %gather3A_34], %broadcast_in_dim3A_5 : memref<200x128xf32, #tpu.memory_space<vmem>>[vector<16xi32>, vector<16xi32>], vector<16xf32>,
    %add3A_35 = arith.constant 80 : i32
    %add3A_36 = vector.broadcast %add3A_35 : i32 to vector<16xi32>
    %add3A_37 = arith.addi %iota3A, %add3A_36 : vector<16xi32>
    %gather3A_38 = tpu.vector_load_idx %arg4[%add3A_37, %add3A_15] : memref<200x128xi32, #tpu.memory_space<vmem>>[vector<16xi32>, vector<16xi32>], vector<16xi32>,
    tpu.vector_store_idx %arg5[%add3A_37, %gather3A_38], %broadcast_in_dim3A_5 : memref<200x128xf32, #tpu.memory_space<vmem>>[vector<16xi32>, vector<16xi32>], vector<16xf32>,
    %add3A_39 = arith.constant 96 : i32
    %add3A_40 = vector.broadcast %add3A_39 : i32 to vector<16xi32>
    %add3A_41 = arith.addi %iota3A, %add3A_40 : vector<16xi32>
    %gather3A_42 = tpu.vector_load_idx %arg4[%add3A_41, %add3A_15] : memref<200x128xi32, #tpu.memory_space<vmem>>[vector<16xi32>, vector<16xi32>], vector<16xi32>,
    tpu.vector_store_idx %arg5[%add3A_41, %gather3A_42], %broadcast_in_dim3A_5 : memref<200x128xf32, #tpu.memory_space<vmem>>[vector<16xi32>, vector<16xi32>], vector<16xf32>,
    %add3A_43 = arith.constant 112 : i32
    %add3A_44 = vector.broadcast %add3A_43 : i32 to vector<16xi32>
    %add3A_45 = arith.addi %iota3A, %add3A_44 : vector<16xi32>
    %gather3A_46 = tpu.vector_load_idx %arg4[%add3A_45, %add3A_15] : memref<200x128xi32, #tpu.memory_space<vmem>>[vector<16xi32>, vector<16xi32>], vector<16xi32>,
    tpu.vector_store_idx %arg5[%add3A_45, %gather3A_46], %broadcast_in_dim3A_5 : memref<200x128xf32, #tpu.memory_space<vmem>>[vector<16xi32>, vector<16xi32>], vector<16xf32>,
    %add3A_47 = arith.constant 128 : i32
    %add3A_48 = vector.broadcast %add3A_47 : i32 to vector<16xi32>
    %add3A_49 = arith.addi %iota3A, %add3A_48 : vector<16xi32>
    %gather3A_50 = tpu.vector_load_idx %arg4[%add3A_49, %add3A_15] : memref<200x128xi32, #tpu.memory_space<vmem>>[vector<16xi32>, vector<16xi32>], vector<16xi32>,
    tpu.vector_store_idx %arg5[%add3A_49, %gather3A_50], %broadcast_in_dim3A_5 : memref<200x128xf32, #tpu.memory_space<vmem>>[vector<16xi32>, vector<16xi32>], vector<16xf32>,
    %add3A_51 = arith.constant 144 : i32
    %add3A_52 = vector.broadcast %add3A_51 : i32 to vector<16xi32>
    %add3A_53 = arith.addi %iota3A, %add3A_52 : vector<16xi32>
    %gather3A_54 = tpu.vector_load_idx %arg4[%add3A_53, %add3A_15] : memref<200x128xi32, #tpu.memory_space<vmem>>[vector<16xi32>, vector<16xi32>], vector<16xi32>,
    tpu.vector_store_idx %arg5[%add3A_53, %gather3A_54], %broadcast_in_dim3A_5 : memref<200x128xf32, #tpu.memory_space<vmem>>[vector<16xi32>, vector<16xi32>], vector<16xf32>,
    %add3A_55 = arith.constant 160 : i32
    %add3A_56 = vector.broadcast %add3A_55 : i32 to vector<16xi32>
    %add3A_57 = arith.addi %iota3A, %add3A_56 : vector<16xi32>
    %gather3A_58 = tpu.vector_load_idx %arg4[%add3A_57, %add3A_15] : memref<200x128xi32, #tpu.memory_space<vmem>>[vector<16xi32>, vector<16xi32>], vector<16xi32>,
    tpu.vector_store_idx %arg5[%add3A_57, %gather3A_58], %broadcast_in_dim3A_5 : memref<200x128xf32, #tpu.memory_space<vmem>>[vector<16xi32>, vector<16xi32>], vector<16xf32>,
    %add3A_59 = arith.constant 176 : i32
    %add3A_60 = vector.broadcast %add3A_59 : i32 to vector<16xi32>
    %add3A_61 = arith.addi %iota3A, %add3A_60 : vector<16xi32>
    %gather3A_62 = tpu.vector_load_idx %arg4[%add3A_61, %add3A_15] : memref<200x128xi32, #tpu.memory_space<vmem>>[vector<16xi32>, vector<16xi32>], vector<16xi32>,
    tpu.vector_store_idx %arg5[%add3A_61, %gather3A_62], %broadcast_in_dim3A_5 : memref<200x128xf32, #tpu.memory_space<vmem>>[vector<16xi32>, vector<16xi32>], vector<16xf32>,
    %add3A_63 = arith.constant 184 : i32
    %add3A_64 = vector.broadcast %add3A_63 : i32 to vector<16xi32>
    %add3A_65 = arith.addi %iota3A, %add3A_64 : vector<16xi32>
    %gather3A_66 = tpu.vector_load_idx %arg4[%add3A_65, %add3A_15] : memref<200x128xi32, #tpu.memory_space<vmem>>[vector<16xi32>, vector<16xi32>], vector<16xi32>,
    tpu.vector_store_idx %arg5[%add3A_65, %gather3A_66], %broadcast_in_dim3A_5 : memref<200x128xf32, #tpu.memory_space<vmem>>[vector<16xi32>, vector<16xi32>], vector<16xf32>,
    %add3A_67 = arith.constant 0 : i32
    %add3A_68 = arith.addi %mul3A_2, %add3A_67 : i32
    %dma_start3A = arith.constant 0 : i32
    %dma_start3A_69 = arith.constant 0 : i32
    %dma_start3A_70 = tpu.memref_slice %arg3[%add3A_68, %dma_start3A, %dma_start3A_69] : memref<4096x200x128xf32, #tpu.memory_space<hbm>> -> memref<1x200x128xf32, #tpu.memory_space<hbm>>
    %dma_start3A_71 = tpu.memref_squeeze %dma_start3A_70 : memref<1x200x128xf32, #tpu.memory_space<hbm>> -> memref<200x128xf32, #tpu.memory_space<hbm>>
    %dma_start3A_72 = arith.constant 0 : i32
    %dma_start3A_73 = arith.constant 0 : i32
    %dma_start3A_74 = tpu.memref_slice %arg3[%add3A_68, %dma_start3A_72, %dma_start3A_73] : memref<4096x200x128xf32, #tpu.memory_space<hbm>> -> memref<1x200x128xf32, #tpu.memory_space<hbm>>
    %dma_start3A_75 = tpu.memref_squeeze %dma_start3A_74 : memref<1x200x128xf32, #tpu.memory_space<hbm>> -> memref<200x128xf32, #tpu.memory_space<hbm>>
    tpu.enqueue_dma source(%arg5 : memref<200x128xf32, #tpu.memory_space<vmem>>) target(%dma_start3A_75 : memref<200x128xf32, #tpu.memory_space<hbm>>) target_semaphore(%arg7 : memref<!tpu.dma_semaphore, #tpu.memory_space<semaphore_mem>>)
    %scan3A_76 = arith.constant 0 : i32
    %scan3A_77 = arith.constant 200 : i32
    %scan3A_78 = arith.addi %scan3A_76, %scan3A_77 : i32
    %scan3A_79 = arith.constant 1 : i32
    scf.for %scan3A_169 = %scan3A_76 to %scan3A_78 step %scan3A_79  : i32 {
      %mul3A_170 = arith.constant 1 : i32
      %mul3A_171 = arith.muli %scan3A_169, %mul3A_170 : i32
      %add3A_172 = arith.constant 0 : i32
      %add3A_173 = arith.addi %add3A_172, %mul3A_171 : i32
      %swap3A = arith.index_cast %add3A_173 : i32 to index
      %swap3A_174 = arith.constant 0 : index
      %swap3A_175 = tpu.vector_load %arg6[%swap3A, %swap3A_174] {strides = array<i32>} : memref<200x128xf32, #tpu.memory_space<vmem>>, vector<16xf32>,
      tpu.vector_store %arg6[%swap3A, %swap3A_174], %broadcast_in_dim3A_3 {strides = array<i32>} : memref<200x128xf32, #tpu.memory_space<vmem>>, vector<16xf32>,
      %swap3A_176 = arith.index_cast %add3A_173 : i32 to index
      %swap3A_177 = arith.constant 16 : index
      %swap3A_178 = tpu.vector_load %arg6[%swap3A_176, %swap3A_177] {strides = array<i32>} : memref<200x128xf32, #tpu.memory_space<vmem>>, vector<16xf32>,
      tpu.vector_store %arg6[%swap3A_176, %swap3A_177], %broadcast_in_dim3A_3 {strides = array<i32>} : memref<200x128xf32, #tpu.memory_space<vmem>>, vector<16xf32>,
      %swap3A_179 = arith.index_cast %add3A_173 : i32 to index
      %swap3A_180 = arith.constant 32 : index
      %swap3A_181 = tpu.vector_load %arg6[%swap3A_179, %swap3A_180] {strides = array<i32>} : memref<200x128xf32, #tpu.memory_space<vmem>>, vector<16xf32>,
      tpu.vector_store %arg6[%swap3A_179, %swap3A_180], %broadcast_in_dim3A_3 {strides = array<i32>} : memref<200x128xf32, #tpu.memory_space<vmem>>, vector<16xf32>,
      %swap3A_182 = arith.index_cast %add3A_173 : i32 to index
      %swap3A_183 = arith.constant 48 : index
      %swap3A_184 = tpu.vector_load %arg6[%swap3A_182, %swap3A_183] {strides = array<i32>} : memref<200x128xf32, #tpu.memory_space<vmem>>, vector<16xf32>,
      tpu.vector_store %arg6[%swap3A_182, %swap3A_183], %broadcast_in_dim3A_3 {strides = array<i32>} : memref<200x128xf32, #tpu.memory_space<vmem>>, vector<16xf32>,
      %swap3A_185 = arith.index_cast %add3A_173 : i32 to index
      %swap3A_186 = arith.constant 64 : index
      %swap3A_187 = tpu.vector_load %arg6[%swap3A_185, %swap3A_186] {strides = array<i32>} : memref<200x128xf32, #tpu.memory_space<vmem>>, vector<16xf32>,
      tpu.vector_store %arg6[%swap3A_185, %swap3A_186], %broadcast_in_dim3A_3 {strides = array<i32>} : memref<200x128xf32, #tpu.memory_space<vmem>>, vector<16xf32>,
      %swap3A_188 = arith.index_cast %add3A_173 : i32 to index
      %swap3A_189 = arith.constant 80 : index
      %swap3A_190 = tpu.vector_load %arg6[%swap3A_188, %swap3A_189] {strides = array<i32>} : memref<200x128xf32, #tpu.memory_space<vmem>>, vector<16xf32>,
      tpu.vector_store %arg6[%swap3A_188, %swap3A_189], %broadcast_in_dim3A_3 {strides = array<i32>} : memref<200x128xf32, #tpu.memory_space<vmem>>, vector<16xf32>,
      %swap3A_191 = arith.index_cast %add3A_173 : i32 to index
      %swap3A_192 = arith.constant 96 : index
      %swap3A_193 = tpu.vector_load %arg6[%swap3A_191, %swap3A_192] {strides = array<i32>} : memref<200x128xf32, #tpu.memory_space<vmem>>, vector<16xf32>,
      tpu.vector_store %arg6[%swap3A_191, %swap3A_192], %broadcast_in_dim3A_3 {strides = array<i32>} : memref<200x128xf32, #tpu.memory_space<vmem>>, vector<16xf32>,
      %swap3A_194 = arith.index_cast %add3A_173 : i32 to index
      %swap3A_195 = arith.constant 112 : index
      %swap3A_196 = tpu.vector_load %arg6[%swap3A_194, %swap3A_195] {strides = array<i32>} : memref<200x128xf32, #tpu.memory_space<vmem>>, vector<16xf32>,
      tpu.vector_store %arg6[%swap3A_194, %swap3A_195], %broadcast_in_dim3A_3 {strides = array<i32>} : memref<200x128xf32, #tpu.memory_space<vmem>>, vector<16xf32>,
    }
    %scan3A_80 = arith.constant 200 : i32
    %mul3A_81 = arith.constant 0 : i32
    %mul3A_82 = vector.broadcast %mul3A_81 : i32 to vector<16xi32>
    %mul3A_83 = arith.muli %iota3A, %mul3A_82 : vector<16xi32>
    %add3A_84 = arith.constant 1 : i32
    %add3A_85 = vector.broadcast %add3A_84 : i32 to vector<16xi32>
    %add3A_86 = arith.addi %mul3A_83, %add3A_85 : vector<16xi32>
    %add3A_87 = arith.constant 0 : i32
    %add3A_88 = vector.broadcast %add3A_87 : i32 to vector<16xi32>
    %add3A_89 = arith.addi %iota3A, %add3A_88 : vector<16xi32>
    %gather3A_90 = tpu.vector_load_idx %arg4[%add3A_89, %add3A_86] : memref<200x128xi32, #tpu.memory_space<vmem>>[vector<16xi32>, vector<16xi32>], vector<16xi32>,
    tpu.vector_store_idx %arg6[%add3A_89, %gather3A_90], %broadcast_in_dim3A_5 : memref<200x128xf32, #tpu.memory_space<vmem>>[vector<16xi32>, vector<16xi32>], vector<16xf32>,
    %add3A_91 = arith.constant 16 : i32
    %add3A_92 = vector.broadcast %add3A_91 : i32 to vector<16xi32>
    %add3A_93 = arith.addi %iota3A, %add3A_92 : vector<16xi32>
    %gather3A_94 = tpu.vector_load_idx %arg4[%add3A_93, %add3A_86] : memref<200x128xi32, #tpu.memory_space<vmem>>[vector<16xi32>, vector<16xi32>], vector<16xi32>,
    tpu.vector_store_idx %arg6[%add3A_93, %gather3A_94], %broadcast_in_dim3A_5 : memref<200x128xf32, #tpu.memory_space<vmem>>[vector<16xi32>, vector<16xi32>], vector<16xf32>,
    %add3A_95 = arith.constant 32 : i32
    %add3A_96 = vector.broadcast %add3A_95 : i32 to vector<16xi32>
    %add3A_97 = arith.addi %iota3A, %add3A_96 : vector<16xi32>
    %gather3A_98 = tpu.vector_load_idx %arg4[%add3A_97, %add3A_86] : memref<200x128xi32, #tpu.memory_space<vmem>>[vector<16xi32>, vector<16xi32>], vector<16xi32>,
    tpu.vector_store_idx %arg6[%add3A_97, %gather3A_98], %broadcast_in_dim3A_5 : memref<200x128xf32, #tpu.memory_space<vmem>>[vector<16xi32>, vector<16xi32>], vector<16xf32>,
    %add3A_99 = arith.constant 48 : i32
    %add3A_100 = vector.broadcast %add3A_99 : i32 to vector<16xi32>
    %add3A_101 = arith.addi %iota3A, %add3A_100 : vector<16xi32>
    %gather3A_102 = tpu.vector_load_idx %arg4[%add3A_101, %add3A_86] : memref<200x128xi32, #tpu.memory_space<vmem>>[vector<16xi32>, vector<16xi32>], vector<16xi32>,
    tpu.vector_store_idx %arg6[%add3A_101, %gather3A_102], %broadcast_in_dim3A_5 : memref<200x128xf32, #tpu.memory_space<vmem>>[vector<16xi32>, vector<16xi32>], vector<16xf32>,
    %add3A_103 = arith.constant 64 : i32
    %add3A_104 = vector.broadcast %add3A_103 : i32 to vector<16xi32>
    %add3A_105 = arith.addi %iota3A, %add3A_104 : vector<16xi32>
    %gather3A_106 = tpu.vector_load_idx %arg4[%add3A_105, %add3A_86] : memref<200x128xi32, #tpu.memory_space<vmem>>[vector<16xi32>, vector<16xi32>], vector<16xi32>,
    tpu.vector_store_idx %arg6[%add3A_105, %gather3A_106], %broadcast_in_dim3A_5 : memref<200x128xf32, #tpu.memory_space<vmem>>[vector<16xi32>, vector<16xi32>], vector<16xf32>,
    %add3A_107 = arith.constant 80 : i32
    %add3A_108 = vector.broadcast %add3A_107 : i32 to vector<16xi32>
    %add3A_109 = arith.addi %iota3A, %add3A_108 : vector<16xi32>
    %gather3A_110 = tpu.vector_load_idx %arg4[%add3A_109, %add3A_86] : memref<200x128xi32, #tpu.memory_space<vmem>>[vector<16xi32>, vector<16xi32>], vector<16xi32>,
    tpu.vector_store_idx %arg6[%add3A_109, %gather3A_110], %broadcast_in_dim3A_5 : memref<200x128xf32, #tpu.memory_space<vmem>>[vector<16xi32>, vector<16xi32>], vector<16xf32>,
    %add3A_111 = arith.constant 96 : i32
    %add3A_112 = vector.broadcast %add3A_111 : i32 to vector<16xi32>
    %add3A_113 = arith.addi %iota3A, %add3A_112 : vector<16xi32>
    %gather3A_114 = tpu.vector_load_idx %arg4[%add3A_113, %add3A_86] : memref<200x128xi32, #tpu.memory_space<vmem>>[vector<16xi32>, vector<16xi32>], vector<16xi32>,
    tpu.vector_store_idx %arg6[%add3A_113, %gather3A_114], %broadcast_in_dim3A_5 : memref<200x128xf32, #tpu.memory_space<vmem>>[vector<16xi32>, vector<16xi32>], vector<16xf32>,
    %add3A_115 = arith.constant 112 : i32
    %add3A_116 = vector.broadcast %add3A_115 : i32 to vector<16xi32>
    %add3A_117 = arith.addi %iota3A, %add3A_116 : vector<16xi32>
    %gather3A_118 = tpu.vector_load_idx %arg4[%add3A_117, %add3A_86] : memref<200x128xi32, #tpu.memory_space<vmem>>[vector<16xi32>, vector<16xi32>], vector<16xi32>,
    tpu.vector_store_idx %arg6[%add3A_117, %gather3A_118], %broadcast_in_dim3A_5 : memref<200x128xf32, #tpu.memory_space<vmem>>[vector<16xi32>, vector<16xi32>], vector<16xf32>,
    %add3A_119 = arith.constant 128 : i32
    %add3A_120 = vector.broadcast %add3A_119 : i32 to vector<16xi32>
    %add3A_121 = arith.addi %iota3A, %add3A_120 : vector<16xi32>
    %gather3A_122 = tpu.vector_load_idx %arg4[%add3A_121, %add3A_86] : memref<200x128xi32, #tpu.memory_space<vmem>>[vector<16xi32>, vector<16xi32>], vector<16xi32>,
    tpu.vector_store_idx %arg6[%add3A_121, %gather3A_122], %broadcast_in_dim3A_5 : memref<200x128xf32, #tpu.memory_space<vmem>>[vector<16xi32>, vector<16xi32>], vector<16xf32>,
    %add3A_123 = arith.constant 144 : i32
    %add3A_124 = vector.broadcast %add3A_123 : i32 to vector<16xi32>
    %add3A_125 = arith.addi %iota3A, %add3A_124 : vector<16xi32>
    %gather3A_126 = tpu.vector_load_idx %arg4[%add3A_125, %add3A_86] : memref<200x128xi32, #tpu.memory_space<vmem>>[vector<16xi32>, vector<16xi32>], vector<16xi32>,
    tpu.vector_store_idx %arg6[%add3A_125, %gather3A_126], %broadcast_in_dim3A_5 : memref<200x128xf32, #tpu.memory_space<vmem>>[vector<16xi32>, vector<16xi32>], vector<16xf32>,
    %add3A_127 = arith.constant 160 : i32
    %add3A_128 = vector.broadcast %add3A_127 : i32 to vector<16xi32>
    %add3A_129 = arith.addi %iota3A, %add3A_128 : vector<16xi32>
    %gather3A_130 = tpu.vector_load_idx %arg4[%add3A_129, %add3A_86] : memref<200x128xi32, #tpu.memory_space<vmem>>[vector<16xi32>, vector<16xi32>], vector<16xi32>,
    tpu.vector_store_idx %arg6[%add3A_129, %gather3A_130], %broadcast_in_dim3A_5 : memref<200x128xf32, #tpu.memory_space<vmem>>[vector<16xi32>, vector<16xi32>], vector<16xf32>,
    %add3A_131 = arith.constant 176 : i32
    %add3A_132 = vector.broadcast %add3A_131 : i32 to vector<16xi32>
    %add3A_133 = arith.addi %iota3A, %add3A_132 : vector<16xi32>
    %gather3A_134 = tpu.vector_load_idx %arg4[%add3A_133, %add3A_86] : memref<200x128xi32, #tpu.memory_space<vmem>>[vector<16xi32>, vector<16xi32>], vector<16xi32>,
    tpu.vector_store_idx %arg6[%add3A_133, %gather3A_134], %broadcast_in_dim3A_5 : memref<200x128xf32, #tpu.memory_space<vmem>>[vector<16xi32>, vector<16xi32>], vector<16xf32>,
    %add3A_135 = arith.constant 184 : i32
    %add3A_136 = vector.broadcast %add3A_135 : i32 to vector<16xi32>
    %add3A_137 = arith.addi %iota3A, %add3A_136 : vector<16xi32>
    %gather3A_138 = tpu.vector_load_idx %arg4[%add3A_137, %add3A_86] : memref<200x128xi32, #tpu.memory_space<vmem>>[vector<16xi32>, vector<16xi32>], vector<16xi32>,
    tpu.vector_store_idx %arg6[%add3A_137, %gather3A_138], %broadcast_in_dim3A_5 : memref<200x128xf32, #tpu.memory_space<vmem>>[vector<16xi32>, vector<16xi32>], vector<16xf32>,
    %add3A_139 = arith.constant 1 : i32
    %add3A_140 = arith.addi %mul3A_2, %add3A_139 : i32
    %dma_start3A_141 = arith.constant 0 : i32
    %dma_start3A_142 = arith.constant 0 : i32
    %dma_start3A_143 = tpu.memref_slice %arg3[%add3A_140, %dma_start3A_141, %dma_start3A_142] : memref<4096x200x128xf32, #tpu.memory_space<hbm>> -> memref<1x200x128xf32, #tpu.memory_space<hbm>>
    %dma_start3A_144 = tpu.memref_squeeze %dma_start3A_143 : memref<1x200x128xf32, #tpu.memory_space<hbm>> -> memref<200x128xf32, #tpu.memory_space<hbm>>
    %dma_start3A_145 = arith.constant 0 : i32
    %dma_start3A_146 = arith.constant 0 : i32
    %dma_start3A_147 = tpu.memref_slice %arg3[%add3A_140, %dma_start3A_145, %dma_start3A_146] : memref<4096x200x128xf32, #tpu.memory_space<hbm>> -> memref<1x200x128xf32, #tpu.memory_space<hbm>>
    %dma_start3A_148 = tpu.memref_squeeze %dma_start3A_147 : memref<1x200x128xf32, #tpu.memory_space<hbm>> -> memref<200x128xf32, #tpu.memory_space<hbm>>
    tpu.enqueue_dma source(%arg6 : memref<200x128xf32, #tpu.memory_space<vmem>>) target(%dma_start3A_148 : memref<200x128xf32, #tpu.memory_space<hbm>>) target_semaphore(%arg8 : memref<!tpu.dma_semaphore, #tpu.memory_space<semaphore_mem>>)
    %scan3A_149 = arith.constant 0 : i32
    %scan3A_150 = arith.constant 63 : i32
    %scan3A_151 = arith.addi %scan3A_149, %scan3A_150 : i32
    %scan3A_152 = arith.constant 1 : i32
    scf.for %scan3A_169 = %scan3A_149 to %scan3A_151 step %scan3A_152  : i32 {
      %mul3A_170 = arith.constant 1 : i32
      %mul3A_171 = arith.muli %scan3A_169, %mul3A_170 : i32
      %add3A_172 = arith.constant 1 : i32
      %add3A_173 = arith.addi %add3A_172, %mul3A_171 : i32
      %mul3A_174 = arith.constant 2 : i32
      %mul3A_175 = arith.muli %add3A_173, %mul3A_174 : i32
      %add3A_176 = arith.constant 1 : i32
      %add3A_177 = arith.addi %mul3A_175, %add3A_176 : i32
      %dma_wait3A_178 = arith.constant 0 : i32
      %dma_wait3A_179 = arith.constant 0 : i32
      %dma_wait3A_180 = tpu.memref_slice %arg3[%mul3A_2, %dma_wait3A_178, %dma_wait3A_179] : memref<4096x200x128xf32, #tpu.memory_space<hbm>> -> memref<1x200x128xf32, #tpu.memory_space<hbm>>
      %dma_wait3A_181 = tpu.memref_squeeze %dma_wait3A_180 : memref<1x200x128xf32, #tpu.memory_space<hbm>> -> memref<200x128xf32, #tpu.memory_space<hbm>>
      %dma_wait3A_182 = arith.constant 0 : i32
      %dma_wait3A_183 = arith.constant 0 : i32
      %dma_wait3A_184 = tpu.memref_slice %arg3[%mul3A_2, %dma_wait3A_182, %dma_wait3A_183] : memref<4096x200x128xf32, #tpu.memory_space<hbm>> -> memref<1x200x128xf32, #tpu.memory_space<hbm>>
      %dma_wait3A_185 = tpu.memref_squeeze %dma_wait3A_184 : memref<1x200x128xf32, #tpu.memory_space<hbm>> -> memref<200x128xf32, #tpu.memory_space<hbm>>
      tpu.wait_dma2 semaphore(%arg7 : memref<!tpu.dma_semaphore, #tpu.memory_space<semaphore_mem>>) src(%arg5 : memref<200x128xf32, #tpu.memory_space<vmem>>) dst(%dma_wait3A_185 : memref<200x128xf32, #tpu.memory_space<hbm>>)
      %sub3A = arith.constant 2 : i32
      %sub3A_186 = arith.subi %mul3A_175, %sub3A : i32
      %mul3A_187 = arith.constant 0 : i32
      %mul3A_188 = vector.broadcast %mul3A_187 : i32 to vector<16xi32>
      %mul3A_189 = arith.muli %iota3A, %mul3A_188 : vector<16xi32>
      %add3A_190 = vector.broadcast %sub3A_186 : i32 to vector<16xi32>
      %add3A_191 = arith.addi %mul3A_189, %add3A_190 : vector<16xi32>
      %add3A_192 = arith.constant 0 : i32
      %add3A_193 = vector.broadcast %add3A_192 : i32 to vector<16xi32>
      %add3A_194 = arith.addi %iota3A, %add3A_193 : vector<16xi32>
      %gather3A_195 = tpu.vector_load_idx %arg4[%add3A_194, %add3A_191] : memref<200x128xi32, #tpu.memory_space<vmem>>[vector<16xi32>, vector<16xi32>], vector<16xi32>,
      tpu.vector_store_idx %arg5[%add3A_194, %gather3A_195], %broadcast_in_dim3A_3 : memref<200x128xf32, #tpu.memory_space<vmem>>[vector<16xi32>, vector<16xi32>], vector<16xf32>,
      %add3A_196 = arith.constant 16 : i32
      %add3A_197 = vector.broadcast %add3A_196 : i32 to vector<16xi32>
      %add3A_198 = arith.addi %iota3A, %add3A_197 : vector<16xi32>
      %gather3A_199 = tpu.vector_load_idx %arg4[%add3A_198, %add3A_191] : memref<200x128xi32, #tpu.memory_space<vmem>>[vector<16xi32>, vector<16xi32>], vector<16xi32>,
      tpu.vector_store_idx %arg5[%add3A_198, %gather3A_199], %broadcast_in_dim3A_3 : memref<200x128xf32, #tpu.memory_space<vmem>>[vector<16xi32>, vector<16xi32>], vector<16xf32>,
      %add3A_200 = arith.constant 32 : i32
      %add3A_201 = vector.broadcast %add3A_200 : i32 to vector<16xi32>
      %add3A_202 = arith.addi %iota3A, %add3A_201 : vector<16xi32>
      %gather3A_203 = tpu.vector_load_idx %arg4[%add3A_202, %add3A_191] : memref<200x128xi32, #tpu.memory_space<vmem>>[vector<16xi32>, vector<16xi32>], vector<16xi32>,
      tpu.vector_store_idx %arg5[%add3A_202, %gather3A_203], %broadcast_in_dim3A_3 : memref<200x128xf32, #tpu.memory_space<vmem>>[vector<16xi32>, vector<16xi32>], vector<16xf32>,
      %add3A_204 = arith.constant 48 : i32
      %add3A_205 = vector.broadcast %add3A_204 : i32 to vector<16xi32>
      %add3A_206 = arith.addi %iota3A, %add3A_205 : vector<16xi32>
      %gather3A_207 = tpu.vector_load_idx %arg4[%add3A_206, %add3A_191] : memref<200x128xi32, #tpu.memory_space<vmem>>[vector<16xi32>, vector<16xi32>], vector<16xi32>,
      tpu.vector_store_idx %arg5[%add3A_206, %gather3A_207], %broadcast_in_dim3A_3 : memref<200x128xf32, #tpu.memory_space<vmem>>[vector<16xi32>, vector<16xi32>], vector<16xf32>,
      %add3A_208 = arith.constant 64 : i32
      %add3A_209 = vector.broadcast %add3A_208 : i32 to vector<16xi32>
      %add3A_210 = arith.addi %iota3A, %add3A_209 : vector<16xi32>
      %gather3A_211 = tpu.vector_load_idx %arg4[%add3A_210, %add3A_191] : memref<200x128xi32, #tpu.memory_space<vmem>>[vector<16xi32>, vector<16xi32>], vector<16xi32>,
      tpu.vector_store_idx %arg5[%add3A_210, %gather3A_211], %broadcast_in_dim3A_3 : memref<200x128xf32, #tpu.memory_space<vmem>>[vector<16xi32>, vector<16xi32>], vector<16xf32>,
      %add3A_212 = arith.constant 80 : i32
      %add3A_213 = vector.broadcast %add3A_212 : i32 to vector<16xi32>
      %add3A_214 = arith.addi %iota3A, %add3A_213 : vector<16xi32>
      %gather3A_215 = tpu.vector_load_idx %arg4[%add3A_214, %add3A_191] : memref<200x128xi32, #tpu.memory_space<vmem>>[vector<16xi32>, vector<16xi32>], vector<16xi32>,
      tpu.vector_store_idx %arg5[%add3A_214, %gather3A_215], %broadcast_in_dim3A_3 : memref<200x128xf32, #tpu.memory_space<vmem>>[vector<16xi32>, vector<16xi32>], vector<16xf32>,
      %add3A_216 = arith.constant 96 : i32
      %add3A_217 = vector.broadcast %add3A_216 : i32 to vector<16xi32>
      %add3A_218 = arith.addi %iota3A, %add3A_217 : vector<16xi32>
      %gather3A_219 = tpu.vector_load_idx %arg4[%add3A_218, %add3A_191] : memref<200x128xi32, #tpu.memory_space<vmem>>[vector<16xi32>, vector<16xi32>], vector<16xi32>,
      tpu.vector_store_idx %arg5[%add3A_218, %gather3A_219], %broadcast_in_dim3A_3 : memref<200x128xf32, #tpu.memory_space<vmem>>[vector<16xi32>, vector<16xi32>], vector<16xf32>,
      %add3A_220 = arith.constant 112 : i32
      %add3A_221 = vector.broadcast %add3A_220 : i32 to vector<16xi32>
      %add3A_222 = arith.addi %iota3A, %add3A_221 : vector<16xi32>
      %gather3A_223 = tpu.vector_load_idx %arg4[%add3A_222, %add3A_191] : memref<200x128xi32, #tpu.memory_space<vmem>>[vector<16xi32>, vector<16xi32>], vector<16xi32>,
      tpu.vector_store_idx %arg5[%add3A_222, %gather3A_223], %broadcast_in_dim3A_3 : memref<200x128xf32, #tpu.memory_space<vmem>>[vector<16xi32>, vector<16xi32>], vector<16xf32>,
      %add3A_224 = arith.constant 128 : i32
      %add3A_225 = vector.broadcast %add3A_224 : i32 to vector<16xi32>
      %add3A_226 = arith.addi %iota3A, %add3A_225 : vector<16xi32>
      %gather3A_227 = tpu.vector_load_idx %arg4[%add3A_226, %add3A_191] : memref<200x128xi32, #tpu.memory_space<vmem>>[vector<16xi32>, vector<16xi32>], vector<16xi32>,
      tpu.vector_store_idx %arg5[%add3A_226, %gather3A_227], %broadcast_in_dim3A_3 : memref<200x128xf32, #tpu.memory_space<vmem>>[vector<16xi32>, vector<16xi32>], vector<16xf32>,
      %add3A_228 = arith.constant 144 : i32
      %add3A_229 = vector.broadcast %add3A_228 : i32 to vector<16xi32>
      %add3A_230 = arith.addi %iota3A, %add3A_229 : vector<16xi32>
      %gather3A_231 = tpu.vector_load_idx %arg4[%add3A_230, %add3A_191] : memref<200x128xi32, #tpu.memory_space<vmem>>[vector<16xi32>, vector<16xi32>], vector<16xi32>,
      tpu.vector_store_idx %arg5[%add3A_230, %gather3A_231], %broadcast_in_dim3A_3 : memref<200x128xf32, #tpu.memory_space<vmem>>[vector<16xi32>, vector<16xi32>], vector<16xf32>,
      %add3A_232 = arith.constant 160 : i32
      %add3A_233 = vector.broadcast %add3A_232 : i32 to vector<16xi32>
      %add3A_234 = arith.addi %iota3A, %add3A_233 : vector<16xi32>
      %gather3A_235 = tpu.vector_load_idx %arg4[%add3A_234, %add3A_191] : memref<200x128xi32, #tpu.memory_space<vmem>>[vector<16xi32>, vector<16xi32>], vector<16xi32>,
      tpu.vector_store_idx %arg5[%add3A_234, %gather3A_235], %broadcast_in_dim3A_3 : memref<200x128xf32, #tpu.memory_space<vmem>>[vector<16xi32>, vector<16xi32>], vector<16xf32>,
      %add3A_236 = arith.constant 176 : i32
      %add3A_237 = vector.broadcast %add3A_236 : i32 to vector<16xi32>
      %add3A_238 = arith.addi %iota3A, %add3A_237 : vector<16xi32>
      %gather3A_239 = tpu.vector_load_idx %arg4[%add3A_238, %add3A_191] : memref<200x128xi32, #tpu.memory_space<vmem>>[vector<16xi32>, vector<16xi32>], vector<16xi32>,
      tpu.vector_store_idx %arg5[%add3A_238, %gather3A_239], %broadcast_in_dim3A_3 : memref<200x128xf32, #tpu.memory_space<vmem>>[vector<16xi32>, vector<16xi32>], vector<16xf32>,
      %add3A_240 = arith.constant 184 : i32
      %add3A_241 = vector.broadcast %add3A_240 : i32 to vector<16xi32>
      %add3A_242 = arith.addi %iota3A, %add3A_241 : vector<16xi32>
      %gather3A_243 = tpu.vector_load_idx %arg4[%add3A_242, %add3A_191] : memref<200x128xi32, #tpu.memory_space<vmem>>[vector<16xi32>, vector<16xi32>], vector<16xi32>,
      tpu.vector_store_idx %arg5[%add3A_242, %gather3A_243], %broadcast_in_dim3A_3 : memref<200x128xf32, #tpu.memory_space<vmem>>[vector<16xi32>, vector<16xi32>], vector<16xf32>,
      %mul3A_244 = arith.constant 0 : i32
      %mul3A_245 = vector.broadcast %mul3A_244 : i32 to vector<16xi32>
      %mul3A_246 = arith.muli %iota3A, %mul3A_245 : vector<16xi32>
      %add3A_247 = vector.broadcast %mul3A_175 : i32 to vector<16xi32>
      %add3A_248 = arith.addi %mul3A_246, %add3A_247 : vector<16xi32>
      %add3A_249 = arith.constant 0 : i32
      %add3A_250 = vector.broadcast %add3A_249 : i32 to vector<16xi32>
      %add3A_251 = arith.addi %iota3A, %add3A_250 : vector<16xi32>
      %gather3A_252 = tpu.vector_load_idx %arg4[%add3A_251, %add3A_248] : memref<200x128xi32, #tpu.memory_space<vmem>>[vector<16xi32>, vector<16xi32>], vector<16xi32>,
      tpu.vector_store_idx %arg5[%add3A_251, %gather3A_252], %broadcast_in_dim3A_5 : memref<200x128xf32, #tpu.memory_space<vmem>>[vector<16xi32>, vector<16xi32>], vector<16xf32>,
      %add3A_253 = arith.constant 16 : i32
      %add3A_254 = vector.broadcast %add3A_253 : i32 to vector<16xi32>
      %add3A_255 = arith.addi %iota3A, %add3A_254 : vector<16xi32>
      %gather3A_256 = tpu.vector_load_idx %arg4[%add3A_255, %add3A_248] : memref<200x128xi32, #tpu.memory_space<vmem>>[vector<16xi32>, vector<16xi32>], vector<16xi32>,
      tpu.vector_store_idx %arg5[%add3A_255, %gather3A_256], %broadcast_in_dim3A_5 : memref<200x128xf32, #tpu.memory_space<vmem>>[vector<16xi32>, vector<16xi32>], vector<16xf32>,
      %add3A_257 = arith.constant 32 : i32
      %add3A_258 = vector.broadcast %add3A_257 : i32 to vector<16xi32>
      %add3A_259 = arith.addi %iota3A, %add3A_258 : vector<16xi32>
      %gather3A_260 = tpu.vector_load_idx %arg4[%add3A_259, %add3A_248] : memref<200x128xi32, #tpu.memory_space<vmem>>[vector<16xi32>, vector<16xi32>], vector<16xi32>,
      tpu.vector_store_idx %arg5[%add3A_259, %gather3A_260], %broadcast_in_dim3A_5 : memref<200x128xf32, #tpu.memory_space<vmem>>[vector<16xi32>, vector<16xi32>], vector<16xf32>,
      %add3A_261 = arith.constant 48 : i32
      %add3A_262 = vector.broadcast %add3A_261 : i32 to vector<16xi32>
      %add3A_263 = arith.addi %iota3A, %add3A_262 : vector<16xi32>
      %gather3A_264 = tpu.vector_load_idx %arg4[%add3A_263, %add3A_248] : memref<200x128xi32, #tpu.memory_space<vmem>>[vector<16xi32>, vector<16xi32>], vector<16xi32>,
      tpu.vector_store_idx %arg5[%add3A_263, %gather3A_264], %broadcast_in_dim3A_5 : memref<200x128xf32, #tpu.memory_space<vmem>>[vector<16xi32>, vector<16xi32>], vector<16xf32>,
      %add3A_265 = arith.constant 64 : i32
      %add3A_266 = vector.broadcast %add3A_265 : i32 to vector<16xi32>
      %add3A_267 = arith.addi %iota3A, %add3A_266 : vector<16xi32>
      %gather3A_268 = tpu.vector_load_idx %arg4[%add3A_267, %add3A_248] : memref<200x128xi32, #tpu.memory_space<vmem>>[vector<16xi32>, vector<16xi32>], vector<16xi32>,
      tpu.vector_store_idx %arg5[%add3A_267, %gather3A_268], %broadcast_in_dim3A_5 : memref<200x128xf32, #tpu.memory_space<vmem>>[vector<16xi32>, vector<16xi32>], vector<16xf32>,
      %add3A_269 = arith.constant 80 : i32
      %add3A_270 = vector.broadcast %add3A_269 : i32 to vector<16xi32>
      %add3A_271 = arith.addi %iota3A, %add3A_270 : vector<16xi32>
      %gather3A_272 = tpu.vector_load_idx %arg4[%add3A_271, %add3A_248] : memref<200x128xi32, #tpu.memory_space<vmem>>[vector<16xi32>, vector<16xi32>], vector<16xi32>,
      tpu.vector_store_idx %arg5[%add3A_271, %gather3A_272], %broadcast_in_dim3A_5 : memref<200x128xf32, #tpu.memory_space<vmem>>[vector<16xi32>, vector<16xi32>], vector<16xf32>,
      %add3A_273 = arith.constant 96 : i32
      %add3A_274 = vector.broadcast %add3A_273 : i32 to vector<16xi32>
      %add3A_275 = arith.addi %iota3A, %add3A_274 : vector<16xi32>
      %gather3A_276 = tpu.vector_load_idx %arg4[%add3A_275, %add3A_248] : memref<200x128xi32, #tpu.memory_space<vmem>>[vector<16xi32>, vector<16xi32>], vector<16xi32>,
      tpu.vector_store_idx %arg5[%add3A_275, %gather3A_276], %broadcast_in_dim3A_5 : memref<200x128xf32, #tpu.memory_space<vmem>>[vector<16xi32>, vector<16xi32>], vector<16xf32>,
      %add3A_277 = arith.constant 112 : i32
      %add3A_278 = vector.broadcast %add3A_277 : i32 to vector<16xi32>
      %add3A_279 = arith.addi %iota3A, %add3A_278 : vector<16xi32>
      %gather3A_280 = tpu.vector_load_idx %arg4[%add3A_279, %add3A_248] : memref<200x128xi32, #tpu.memory_space<vmem>>[vector<16xi32>, vector<16xi32>], vector<16xi32>,
      tpu.vector_store_idx %arg5[%add3A_279, %gather3A_280], %broadcast_in_dim3A_5 : memref<200x128xf32, #tpu.memory_space<vmem>>[vector<16xi32>, vector<16xi32>], vector<16xf32>,
      %add3A_281 = arith.constant 128 : i32
      %add3A_282 = vector.broadcast %add3A_281 : i32 to vector<16xi32>
      %add3A_283 = arith.addi %iota3A, %add3A_282 : vector<16xi32>
      %gather3A_284 = tpu.vector_load_idx %arg4[%add3A_283, %add3A_248] : memref<200x128xi32, #tpu.memory_space<vmem>>[vector<16xi32>, vector<16xi32>], vector<16xi32>,
      tpu.vector_store_idx %arg5[%add3A_283, %gather3A_284], %broadcast_in_dim3A_5 : memref<200x128xf32, #tpu.memory_space<vmem>>[vector<16xi32>, vector<16xi32>], vector<16xf32>,
      %add3A_285 = arith.constant 144 : i32
      %add3A_286 = vector.broadcast %add3A_285 : i32 to vector<16xi32>
      %add3A_287 = arith.addi %iota3A, %add3A_286 : vector<16xi32>
      %gather3A_288 = tpu.vector_load_idx %arg4[%add3A_287, %add3A_248] : memref<200x128xi32, #tpu.memory_space<vmem>>[vector<16xi32>, vector<16xi32>], vector<16xi32>,
      tpu.vector_store_idx %arg5[%add3A_287, %gather3A_288], %broadcast_in_dim3A_5 : memref<200x128xf32, #tpu.memory_space<vmem>>[vector<16xi32>, vector<16xi32>], vector<16xf32>,
      %add3A_289 = arith.constant 160 : i32
      %add3A_290 = vector.broadcast %add3A_289 : i32 to vector<16xi32>
      %add3A_291 = arith.addi %iota3A, %add3A_290 : vector<16xi32>
      %gather3A_292 = tpu.vector_load_idx %arg4[%add3A_291, %add3A_248] : memref<200x128xi32, #tpu.memory_space<vmem>>[vector<16xi32>, vector<16xi32>], vector<16xi32>,
      tpu.vector_store_idx %arg5[%add3A_291, %gather3A_292], %broadcast_in_dim3A_5 : memref<200x128xf32, #tpu.memory_space<vmem>>[vector<16xi32>, vector<16xi32>], vector<16xf32>,
      %add3A_293 = arith.constant 176 : i32
      %add3A_294 = vector.broadcast %add3A_293 : i32 to vector<16xi32>
      %add3A_295 = arith.addi %iota3A, %add3A_294 : vector<16xi32>
      %gather3A_296 = tpu.vector_load_idx %arg4[%add3A_295, %add3A_248] : memref<200x128xi32, #tpu.memory_space<vmem>>[vector<16xi32>, vector<16xi32>], vector<16xi32>,
      tpu.vector_store_idx %arg5[%add3A_295, %gather3A_296], %broadcast_in_dim3A_5 : memref<200x128xf32, #tpu.memory_space<vmem>>[vector<16xi32>, vector<16xi32>], vector<16xf32>,
      %add3A_297 = arith.constant 184 : i32
      %add3A_298 = vector.broadcast %add3A_297 : i32 to vector<16xi32>
      %add3A_299 = arith.addi %iota3A, %add3A_298 : vector<16xi32>
      %gather3A_300 = tpu.vector_load_idx %arg4[%add3A_299, %add3A_248] : memref<200x128xi32, #tpu.memory_space<vmem>>[vector<16xi32>, vector<16xi32>], vector<16xi32>,
      tpu.vector_store_idx %arg5[%add3A_299, %gather3A_300], %broadcast_in_dim3A_5 : memref<200x128xf32, #tpu.memory_space<vmem>>[vector<16xi32>, vector<16xi32>], vector<16xf32>,
      %add3A_301 = arith.addi %mul3A_2, %mul3A_175 : i32
      %dma_start3A_302 = arith.constant 0 : i32
      %dma_start3A_303 = arith.constant 0 : i32
      %dma_start3A_304 = tpu.memref_slice %arg3[%add3A_301, %dma_start3A_302, %dma_start3A_303] : memref<4096x200x128xf32, #tpu.memory_space<hbm>> -> memref<1x200x128xf32, #tpu.memory_space<hbm>>
      %dma_start3A_305 = tpu.memref_squeeze %dma_start3A_304 : memref<1x200x128xf32, #tpu.memory_space<hbm>> -> memref<200x128xf32, #tpu.memory_space<hbm>>
      %dma_start3A_306 = arith.constant 0 : i32
      %dma_start3A_307 = arith.constant 0 : i32
      %dma_start3A_308 = tpu.memref_slice %arg3[%add3A_301, %dma_start3A_306, %dma_start3A_307] : memref<4096x200x128xf32, #tpu.memory_space<hbm>> -> memref<1x200x128xf32, #tpu.memory_space<hbm>>
      %dma_start3A_309 = tpu.memref_squeeze %dma_start3A_308 : memref<1x200x128xf32, #tpu.memory_space<hbm>> -> memref<200x128xf32, #tpu.memory_space<hbm>>
      tpu.enqueue_dma source(%arg5 : memref<200x128xf32, #tpu.memory_space<vmem>>) target(%dma_start3A_309 : memref<200x128xf32, #tpu.memory_space<hbm>>) target_semaphore(%arg7 : memref<!tpu.dma_semaphore, #tpu.memory_space<semaphore_mem>>)
      %dma_wait3A_310 = arith.constant 0 : i32
      %dma_wait3A_311 = arith.constant 0 : i32
      %dma_wait3A_312 = tpu.memref_slice %arg3[%mul3A_2, %dma_wait3A_310, %dma_wait3A_311] : memref<4096x200x128xf32, #tpu.memory_space<hbm>> -> memref<1x200x128xf32, #tpu.memory_space<hbm>>
      %dma_wait3A_313 = tpu.memref_squeeze %dma_wait3A_312 : memref<1x200x128xf32, #tpu.memory_space<hbm>> -> memref<200x128xf32, #tpu.memory_space<hbm>>
      %dma_wait3A_314 = arith.constant 0 : i32
      %dma_wait3A_315 = arith.constant 0 : i32
      %dma_wait3A_316 = tpu.memref_slice %arg3[%mul3A_2, %dma_wait3A_314, %dma_wait3A_315] : memref<4096x200x128xf32, #tpu.memory_space<hbm>> -> memref<1x200x128xf32, #tpu.memory_space<hbm>>
      %dma_wait3A_317 = tpu.memref_squeeze %dma_wait3A_316 : memref<1x200x128xf32, #tpu.memory_space<hbm>> -> memref<200x128xf32, #tpu.memory_space<hbm>>
      tpu.wait_dma2 semaphore(%arg8 : memref<!tpu.dma_semaphore, #tpu.memory_space<semaphore_mem>>) src(%arg6 : memref<200x128xf32, #tpu.memory_space<vmem>>) dst(%dma_wait3A_317 : memref<200x128xf32, #tpu.memory_space<hbm>>)
      %sub3A_318 = arith.constant 2 : i32
      %sub3A_319 = arith.subi %add3A_177, %sub3A_318 : i32
      %mul3A_320 = arith.constant 0 : i32
      %mul3A_321 = vector.broadcast %mul3A_320 : i32 to vector<16xi32>
      %mul3A_322 = arith.muli %iota3A, %mul3A_321 : vector<16xi32>
      %add3A_323 = vector.broadcast %sub3A_319 : i32 to vector<16xi32>
      %add3A_324 = arith.addi %mul3A_322, %add3A_323 : vector<16xi32>
      %add3A_325 = arith.constant 0 : i32
      %add3A_326 = vector.broadcast %add3A_325 : i32 to vector<16xi32>
      %add3A_327 = arith.addi %iota3A, %add3A_326 : vector<16xi32>
      %gather3A_328 = tpu.vector_load_idx %arg4[%add3A_327, %add3A_324] : memref<200x128xi32, #tpu.memory_space<vmem>>[vector<16xi32>, vector<16xi32>], vector<16xi32>,
      tpu.vector_store_idx %arg6[%add3A_327, %gather3A_328], %broadcast_in_dim3A_3 : memref<200x128xf32, #tpu.memory_space<vmem>>[vector<16xi32>, vector<16xi32>], vector<16xf32>,
      %add3A_329 = arith.constant 16 : i32
      %add3A_330 = vector.broadcast %add3A_329 : i32 to vector<16xi32>
      %add3A_331 = arith.addi %iota3A, %add3A_330 : vector<16xi32>
      %gather3A_332 = tpu.vector_load_idx %arg4[%add3A_331, %add3A_324] : memref<200x128xi32, #tpu.memory_space<vmem>>[vector<16xi32>, vector<16xi32>], vector<16xi32>,
      tpu.vector_store_idx %arg6[%add3A_331, %gather3A_332], %broadcast_in_dim3A_3 : memref<200x128xf32, #tpu.memory_space<vmem>>[vector<16xi32>, vector<16xi32>], vector<16xf32>,
      %add3A_333 = arith.constant 32 : i32
      %add3A_334 = vector.broadcast %add3A_333 : i32 to vector<16xi32>
      %add3A_335 = arith.addi %iota3A, %add3A_334 : vector<16xi32>
      %gather3A_336 = tpu.vector_load_idx %arg4[%add3A_335, %add3A_324] : memref<200x128xi32, #tpu.memory_space<vmem>>[vector<16xi32>, vector<16xi32>], vector<16xi32>,
      tpu.vector_store_idx %arg6[%add3A_335, %gather3A_336], %broadcast_in_dim3A_3 : memref<200x128xf32, #tpu.memory_space<vmem>>[vector<16xi32>, vector<16xi32>], vector<16xf32>,
      %add3A_337 = arith.constant 48 : i32
      %add3A_338 = vector.broadcast %add3A_337 : i32 to vector<16xi32>
      %add3A_339 = arith.addi %iota3A, %add3A_338 : vector<16xi32>
      %gather3A_340 = tpu.vector_load_idx %arg4[%add3A_339, %add3A_324] : memref<200x128xi32, #tpu.memory_space<vmem>>[vector<16xi32>, vector<16xi32>], vector<16xi32>,
      tpu.vector_store_idx %arg6[%add3A_339, %gather3A_340], %broadcast_in_dim3A_3 : memref<200x128xf32, #tpu.memory_space<vmem>>[vector<16xi32>, vector<16xi32>], vector<16xf32>,
      %add3A_341 = arith.constant 64 : i32
      %add3A_342 = vector.broadcast %add3A_341 : i32 to vector<16xi32>
      %add3A_343 = arith.addi %iota3A, %add3A_342 : vector<16xi32>
      %gather3A_344 = tpu.vector_load_idx %arg4[%add3A_343, %add3A_324] : memref<200x128xi32, #tpu.memory_space<vmem>>[vector<16xi32>, vector<16xi32>], vector<16xi32>,
      tpu.vector_store_idx %arg6[%add3A_343, %gather3A_344], %broadcast_in_dim3A_3 : memref<200x128xf32, #tpu.memory_space<vmem>>[vector<16xi32>, vector<16xi32>], vector<16xf32>,
      %add3A_345 = arith.constant 80 : i32
      %add3A_346 = vector.broadcast %add3A_345 : i32 to vector<16xi32>
      %add3A_347 = arith.addi %iota3A, %add3A_346 : vector<16xi32>
      %gather3A_348 = tpu.vector_load_idx %arg4[%add3A_347, %add3A_324] : memref<200x128xi32, #tpu.memory_space<vmem>>[vector<16xi32>, vector<16xi32>], vector<16xi32>,
      tpu.vector_store_idx %arg6[%add3A_347, %gather3A_348], %broadcast_in_dim3A_3 : memref<200x128xf32, #tpu.memory_space<vmem>>[vector<16xi32>, vector<16xi32>], vector<16xf32>,
      %add3A_349 = arith.constant 96 : i32
      %add3A_350 = vector.broadcast %add3A_349 : i32 to vector<16xi32>
      %add3A_351 = arith.addi %iota3A, %add3A_350 : vector<16xi32>
      %gather3A_352 = tpu.vector_load_idx %arg4[%add3A_351, %add3A_324] : memref<200x128xi32, #tpu.memory_space<vmem>>[vector<16xi32>, vector<16xi32>], vector<16xi32>,
      tpu.vector_store_idx %arg6[%add3A_351, %gather3A_352], %broadcast_in_dim3A_3 : memref<200x128xf32, #tpu.memory_space<vmem>>[vector<16xi32>, vector<16xi32>], vector<16xf32>,
      %add3A_353 = arith.constant 112 : i32
      %add3A_354 = vector.broadcast %add3A_353 : i32 to vector<16xi32>
      %add3A_355 = arith.addi %iota3A, %add3A_354 : vector<16xi32>
      %gather3A_356 = tpu.vector_load_idx %arg4[%add3A_355, %add3A_324] : memref<200x128xi32, #tpu.memory_space<vmem>>[vector<16xi32>, vector<16xi32>], vector<16xi32>,
      tpu.vector_store_idx %arg6[%add3A_355, %gather3A_356], %broadcast_in_dim3A_3 : memref<200x128xf32, #tpu.memory_space<vmem>>[vector<16xi32>, vector<16xi32>], vector<16xf32>,
      %add3A_357 = arith.constant 128 : i32
      %add3A_358 = vector.broadcast %add3A_357 : i32 to vector<16xi32>
      %add3A_359 = arith.addi %iota3A, %add3A_358 : vector<16xi32>
      %gather3A_360 = tpu.vector_load_idx %arg4[%add3A_359, %add3A_324] : memref<200x128xi32, #tpu.memory_space<vmem>>[vector<16xi32>, vector<16xi32>], vector<16xi32>,
      tpu.vector_store_idx %arg6[%add3A_359, %gather3A_360], %broadcast_in_dim3A_3 : memref<200x128xf32, #tpu.memory_space<vmem>>[vector<16xi32>, vector<16xi32>], vector<16xf32>,
      %add3A_361 = arith.constant 144 : i32
      %add3A_362 = vector.broadcast %add3A_361 : i32 to vector<16xi32>
      %add3A_363 = arith.addi %iota3A, %add3A_362 : vector<16xi32>
      %gather3A_364 = tpu.vector_load_idx %arg4[%add3A_363, %add3A_324] : memref<200x128xi32, #tpu.memory_space<vmem>>[vector<16xi32>, vector<16xi32>], vector<16xi32>,
      tpu.vector_store_idx %arg6[%add3A_363, %gather3A_364], %broadcast_in_dim3A_3 : memref<200x128xf32, #tpu.memory_space<vmem>>[vector<16xi32>, vector<16xi32>], vector<16xf32>,
      %add3A_365 = arith.constant 160 : i32
      %add3A_366 = vector.broadcast %add3A_365 : i32 to vector<16xi32>
      %add3A_367 = arith.addi %iota3A, %add3A_366 : vector<16xi32>
      %gather3A_368 = tpu.vector_load_idx %arg4[%add3A_367, %add3A_324] : memref<200x128xi32, #tpu.memory_space<vmem>>[vector<16xi32>, vector<16xi32>], vector<16xi32>,
      tpu.vector_store_idx %arg6[%add3A_367, %gather3A_368], %broadcast_in_dim3A_3 : memref<200x128xf32, #tpu.memory_space<vmem>>[vector<16xi32>, vector<16xi32>], vector<16xf32>,
      %add3A_369 = arith.constant 176 : i32
      %add3A_370 = vector.broadcast %add3A_369 : i32 to vector<16xi32>
      %add3A_371 = arith.addi %iota3A, %add3A_370 : vector<16xi32>
      %gather3A_372 = tpu.vector_load_idx %arg4[%add3A_371, %add3A_324] : memref<200x128xi32, #tpu.memory_space<vmem>>[vector<16xi32>, vector<16xi32>], vector<16xi32>,
      tpu.vector_store_idx %arg6[%add3A_371, %gather3A_372], %broadcast_in_dim3A_3 : memref<200x128xf32, #tpu.memory_space<vmem>>[vector<16xi32>, vector<16xi32>], vector<16xf32>,
      %add3A_373 = arith.constant 184 : i32
      %add3A_374 = vector.broadcast %add3A_373 : i32 to vector<16xi32>
      %add3A_375 = arith.addi %iota3A, %add3A_374 : vector<16xi32>
      %gather3A_376 = tpu.vector_load_idx %arg4[%add3A_375, %add3A_324] : memref<200x128xi32, #tpu.memory_space<vmem>>[vector<16xi32>, vector<16xi32>], vector<16xi32>,
      tpu.vector_store_idx %arg6[%add3A_375, %gather3A_376], %broadcast_in_dim3A_3 : memref<200x128xf32, #tpu.memory_space<vmem>>[vector<16xi32>, vector<16xi32>], vector<16xf32>,
      %mul3A_377 = arith.constant 0 : i32
      %mul3A_378 = vector.broadcast %mul3A_377 : i32 to vector<16xi32>
      %mul3A_379 = arith.muli %iota3A, %mul3A_378 : vector<16xi32>
      %add3A_380 = vector.broadcast %add3A_177 : i32 to vector<16xi32>
      %add3A_381 = arith.addi %mul3A_379, %add3A_380 : vector<16xi32>
      %add3A_382 = arith.constant 0 : i32
      %add3A_383 = vector.broadcast %add3A_382 : i32 to vector<16xi32>
      %add3A_384 = arith.addi %iota3A, %add3A_383 : vector<16xi32>
      %gather3A_385 = tpu.vector_load_idx %arg4[%add3A_384, %add3A_381] : memref<200x128xi32, #tpu.memory_space<vmem>>[vector<16xi32>, vector<16xi32>], vector<16xi32>,
      tpu.vector_store_idx %arg6[%add3A_384, %gather3A_385], %broadcast_in_dim3A_5 : memref<200x128xf32, #tpu.memory_space<vmem>>[vector<16xi32>, vector<16xi32>], vector<16xf32>,
      %add3A_386 = arith.constant 16 : i32
      %add3A_387 = vector.broadcast %add3A_386 : i32 to vector<16xi32>
      %add3A_388 = arith.addi %iota3A, %add3A_387 : vector<16xi32>
      %gather3A_389 = tpu.vector_load_idx %arg4[%add3A_388, %add3A_381] : memref<200x128xi32, #tpu.memory_space<vmem>>[vector<16xi32>, vector<16xi32>], vector<16xi32>,
      tpu.vector_store_idx %arg6[%add3A_388, %gather3A_389], %broadcast_in_dim3A_5 : memref<200x128xf32, #tpu.memory_space<vmem>>[vector<16xi32>, vector<16xi32>], vector<16xf32>,
      %add3A_390 = arith.constant 32 : i32
      %add3A_391 = vector.broadcast %add3A_390 : i32 to vector<16xi32>
      %add3A_392 = arith.addi %iota3A, %add3A_391 : vector<16xi32>
      %gather3A_393 = tpu.vector_load_idx %arg4[%add3A_392, %add3A_381] : memref<200x128xi32, #tpu.memory_space<vmem>>[vector<16xi32>, vector<16xi32>], vector<16xi32>,
      tpu.vector_store_idx %arg6[%add3A_392, %gather3A_393], %broadcast_in_dim3A_5 : memref<200x128xf32, #tpu.memory_space<vmem>>[vector<16xi32>, vector<16xi32>], vector<16xf32>,
      %add3A_394 = arith.constant 48 : i32
      %add3A_395 = vector.broadcast %add3A_394 : i32 to vector<16xi32>
      %add3A_396 = arith.addi %iota3A, %add3A_395 : vector<16xi32>
      %gather3A_397 = tpu.vector_load_idx %arg4[%add3A_396, %add3A_381] : memref<200x128xi32, #tpu.memory_space<vmem>>[vector<16xi32>, vector<16xi32>], vector<16xi32>,
      tpu.vector_store_idx %arg6[%add3A_396, %gather3A_397], %broadcast_in_dim3A_5 : memref<200x128xf32, #tpu.memory_space<vmem>>[vector<16xi32>, vector<16xi32>], vector<16xf32>,
      %add3A_398 = arith.constant 64 : i32
      %add3A_399 = vector.broadcast %add3A_398 : i32 to vector<16xi32>
      %add3A_400 = arith.addi %iota3A, %add3A_399 : vector<16xi32>
      %gather3A_401 = tpu.vector_load_idx %arg4[%add3A_400, %add3A_381] : memref<200x128xi32, #tpu.memory_space<vmem>>[vector<16xi32>, vector<16xi32>], vector<16xi32>,
      tpu.vector_store_idx %arg6[%add3A_400, %gather3A_401], %broadcast_in_dim3A_5 : memref<200x128xf32, #tpu.memory_space<vmem>>[vector<16xi32>, vector<16xi32>], vector<16xf32>,
      %add3A_402 = arith.constant 80 : i32
      %add3A_403 = vector.broadcast %add3A_402 : i32 to vector<16xi32>
      %add3A_404 = arith.addi %iota3A, %add3A_403 : vector<16xi32>
      %gather3A_405 = tpu.vector_load_idx %arg4[%add3A_404, %add3A_381] : memref<200x128xi32, #tpu.memory_space<vmem>>[vector<16xi32>, vector<16xi32>], vector<16xi32>,
      tpu.vector_store_idx %arg6[%add3A_404, %gather3A_405], %broadcast_in_dim3A_5 : memref<200x128xf32, #tpu.memory_space<vmem>>[vector<16xi32>, vector<16xi32>], vector<16xf32>,
      %add3A_406 = arith.constant 96 : i32
      %add3A_407 = vector.broadcast %add3A_406 : i32 to vector<16xi32>
      %add3A_408 = arith.addi %iota3A, %add3A_407 : vector<16xi32>
      %gather3A_409 = tpu.vector_load_idx %arg4[%add3A_408, %add3A_381] : memref<200x128xi32, #tpu.memory_space<vmem>>[vector<16xi32>, vector<16xi32>], vector<16xi32>,
      tpu.vector_store_idx %arg6[%add3A_408, %gather3A_409], %broadcast_in_dim3A_5 : memref<200x128xf32, #tpu.memory_space<vmem>>[vector<16xi32>, vector<16xi32>], vector<16xf32>,
      %add3A_410 = arith.constant 112 : i32
      %add3A_411 = vector.broadcast %add3A_410 : i32 to vector<16xi32>
      %add3A_412 = arith.addi %iota3A, %add3A_411 : vector<16xi32>
      %gather3A_413 = tpu.vector_load_idx %arg4[%add3A_412, %add3A_381] : memref<200x128xi32, #tpu.memory_space<vmem>>[vector<16xi32>, vector<16xi32>], vector<16xi32>,
      tpu.vector_store_idx %arg6[%add3A_412, %gather3A_413], %broadcast_in_dim3A_5 : memref<200x128xf32, #tpu.memory_space<vmem>>[vector<16xi32>, vector<16xi32>], vector<16xf32>,
      %add3A_414 = arith.constant 128 : i32
      %add3A_415 = vector.broadcast %add3A_414 : i32 to vector<16xi32>
      %add3A_416 = arith.addi %iota3A, %add3A_415 : vector<16xi32>
      %gather3A_417 = tpu.vector_load_idx %arg4[%add3A_416, %add3A_381] : memref<200x128xi32, #tpu.memory_space<vmem>>[vector<16xi32>, vector<16xi32>], vector<16xi32>,
      tpu.vector_store_idx %arg6[%add3A_416, %gather3A_417], %broadcast_in_dim3A_5 : memref<200x128xf32, #tpu.memory_space<vmem>>[vector<16xi32>, vector<16xi32>], vector<16xf32>,
      %add3A_418 = arith.constant 144 : i32
      %add3A_419 = vector.broadcast %add3A_418 : i32 to vector<16xi32>
      %add3A_420 = arith.addi %iota3A, %add3A_419 : vector<16xi32>
      %gather3A_421 = tpu.vector_load_idx %arg4[%add3A_420, %add3A_381] : memref<200x128xi32, #tpu.memory_space<vmem>>[vector<16xi32>, vector<16xi32>], vector<16xi32>,
      tpu.vector_store_idx %arg6[%add3A_420, %gather3A_421], %broadcast_in_dim3A_5 : memref<200x128xf32, #tpu.memory_space<vmem>>[vector<16xi32>, vector<16xi32>], vector<16xf32>,
      %add3A_422 = arith.constant 160 : i32
      %add3A_423 = vector.broadcast %add3A_422 : i32 to vector<16xi32>
      %add3A_424 = arith.addi %iota3A, %add3A_423 : vector<16xi32>
      %gather3A_425 = tpu.vector_load_idx %arg4[%add3A_424, %add3A_381] : memref<200x128xi32, #tpu.memory_space<vmem>>[vector<16xi32>, vector<16xi32>], vector<16xi32>,
      tpu.vector_store_idx %arg6[%add3A_424, %gather3A_425], %broadcast_in_dim3A_5 : memref<200x128xf32, #tpu.memory_space<vmem>>[vector<16xi32>, vector<16xi32>], vector<16xf32>,
      %add3A_426 = arith.constant 176 : i32
      %add3A_427 = vector.broadcast %add3A_426 : i32 to vector<16xi32>
      %add3A_428 = arith.addi %iota3A, %add3A_427 : vector<16xi32>
      %gather3A_429 = tpu.vector_load_idx %arg4[%add3A_428, %add3A_381] : memref<200x128xi32, #tpu.memory_space<vmem>>[vector<16xi32>, vector<16xi32>], vector<16xi32>,
      tpu.vector_store_idx %arg6[%add3A_428, %gather3A_429], %broadcast_in_dim3A_5 : memref<200x128xf32, #tpu.memory_space<vmem>>[vector<16xi32>, vector<16xi32>], vector<16xf32>,
      %add3A_430 = arith.constant 184 : i32
      %add3A_431 = vector.broadcast %add3A_430 : i32 to vector<16xi32>
      %add3A_432 = arith.addi %iota3A, %add3A_431 : vector<16xi32>
      %gather3A_433 = tpu.vector_load_idx %arg4[%add3A_432, %add3A_381] : memref<200x128xi32, #tpu.memory_space<vmem>>[vector<16xi32>, vector<16xi32>], vector<16xi32>,
      tpu.vector_store_idx %arg6[%add3A_432, %gather3A_433], %broadcast_in_dim3A_5 : memref<200x128xf32, #tpu.memory_space<vmem>>[vector<16xi32>, vector<16xi32>], vector<16xf32>,
      %add3A_434 = arith.addi %mul3A_2, %add3A_177 : i32
      %dma_start3A_435 = arith.constant 0 : i32
      %dma_start3A_436 = arith.constant 0 : i32
      %dma_start3A_437 = tpu.memref_slice %arg3[%add3A_434, %dma_start3A_435, %dma_start3A_436] : memref<4096x200x128xf32, #tpu.memory_space<hbm>> -> memref<1x200x128xf32, #tpu.memory_space<hbm>>
      %dma_start3A_438 = tpu.memref_squeeze %dma_start3A_437 : memref<1x200x128xf32, #tpu.memory_space<hbm>> -> memref<200x128xf32, #tpu.memory_space<hbm>>
      %dma_start3A_439 = arith.constant 0 : i32
      %dma_start3A_440 = arith.constant 0 : i32
      %dma_start3A_441 = tpu.memref_slice %arg3[%add3A_434, %dma_start3A_439, %dma_start3A_440] : memref<4096x200x128xf32, #tpu.memory_space<hbm>> -> memref<1x200x128xf32, #tpu.memory_space<hbm>>
      %dma_start3A_442 = tpu.memref_squeeze %dma_start3A_441 : memref<1x200x128xf32, #tpu.memory_space<hbm>> -> memref<200x128xf32, #tpu.memory_space<hbm>>
      tpu.enqueue_dma source(%arg6 : memref<200x128xf32, #tpu.memory_space<vmem>>) target(%dma_start3A_442 : memref<200x128xf32, #tpu.memory_space<hbm>>) target_semaphore(%arg8 : memref<!tpu.dma_semaphore, #tpu.memory_space<semaphore_mem>>)
    }
    %scan3A_153 = arith.constant 63 : i32
    %dma_wait3A = arith.constant 0 : i32
    %dma_wait3A_154 = arith.constant 0 : i32
    %dma_wait3A_155 = tpu.memref_slice %arg3[%mul3A_2, %dma_wait3A, %dma_wait3A_154] : memref<4096x200x128xf32, #tpu.memory_space<hbm>> -> memref<1x200x128xf32, #tpu.memory_space<hbm>>
    %dma_wait3A_156 = tpu.memref_squeeze %dma_wait3A_155 : memref<1x200x128xf32, #tpu.memory_space<hbm>> -> memref<200x128xf32, #tpu.memory_space<hbm>>
    %dma_wait3A_157 = arith.constant 0 : i32
    %dma_wait3A_158 = arith.constant 0 : i32
    %dma_wait3A_159 = tpu.memref_slice %arg3[%mul3A_2, %dma_wait3A_157, %dma_wait3A_158] : memref<4096x200x128xf32, #tpu.memory_space<hbm>> -> memref<1x200x128xf32, #tpu.memory_space<hbm>>
    %dma_wait3A_160 = tpu.memref_squeeze %dma_wait3A_159 : memref<1x200x128xf32, #tpu.memory_space<hbm>> -> memref<200x128xf32, #tpu.memory_space<hbm>>
    tpu.wait_dma2 semaphore(%arg7 : memref<!tpu.dma_semaphore, #tpu.memory_space<semaphore_mem>>) src(%arg5 : memref<200x128xf32, #tpu.memory_space<vmem>>) dst(%dma_wait3A_160 : memref<200x128xf32, #tpu.memory_space<hbm>>)
    %dma_wait3A_161 = arith.constant 0 : i32
    %dma_wait3A_162 = arith.constant 0 : i32
    %dma_wait3A_163 = tpu.memref_slice %arg3[%mul3A_2, %dma_wait3A_161, %dma_wait3A_162] : memref<4096x200x128xf32, #tpu.memory_space<hbm>> -> memref<1x200x128xf32, #tpu.memory_space<hbm>>
    %dma_wait3A_164 = tpu.memref_squeeze %dma_wait3A_163 : memref<1x200x128xf32, #tpu.memory_space<hbm>> -> memref<200x128xf32, #tpu.memory_space<hbm>>
    %dma_wait3A_165 = arith.constant 0 : i32
    %dma_wait3A_166 = arith.constant 0 : i32
    %dma_wait3A_167 = tpu.memref_slice %arg3[%mul3A_2, %dma_wait3A_165, %dma_wait3A_166] : memref<4096x200x128xf32, #tpu.memory_space<hbm>> -> memref<1x200x128xf32, #tpu.memory_space<hbm>>
    %dma_wait3A_168 = tpu.memref_squeeze %dma_wait3A_167 : memref<1x200x128xf32, #tpu.memory_space<hbm>> -> memref<200x128xf32, #tpu.memory_space<hbm>>
    tpu.wait_dma2 semaphore(%arg8 : memref<!tpu.dma_semaphore, #tpu.memory_space<semaphore_mem>>) src(%arg6 : memref<200x128xf32, #tpu.memory_space<vmem>>) dst(%dma_wait3A_168 : memref<200x128xf32, #tpu.memory_space<hbm>>)
    return
  }
}

</mosaic_0001>

<sc_bundles>
// kernel: kernel.3.cloned.1.call-start
scs
__scs_entry_jumppad:
0x0: {  	(pc) =	sbr.rel $0x88, $3  }
0x1: {  	(tag) =	ssettag $0x0;
	lr =	simm.s32 $0x1  }
0x2: {  	[smem:$0x3FA0] =	sst lr;
	_ =	strace $0xD0000000  }
0x3: {  	_ = 	snop  }
0x4: {  	_ = 	snop  }
0x5: {  	_ = 	snop  }
0x6: {  	_ = 	snop  }
0x7: {  	_ = 	snop  }
__scs_overlays_trampoline_lowered:
0x8: {  	[smem:$0x3FAF] =	sst s0  }
0x9: {  	[smem:$0x3FB0] =	sst s1  }
0xa: {  	[smem:$0x3FB1] =	sst s2  }
0xb: {  	[smem:$0x3FB2] =	sst s3  }
0xc: {  	[smem:$0x3FB3] =	sst s4  }
0xd: {  	[smem:$0x3FB4] =	sst s5  }
0xe: {  	[smem:$0x3FB5] =	sst s6  }
0xf: {  	[smem:$0x3FB6] =	sst s7  }
0x10: {  	[smem:$0x3FB7] =	sst s8  }
0x11: {  	[smem:$0x3FB8] =	sst s9;
	s0 =	simm.s32 @!p0 $0x0  }
0x12: {  	s1 =	sld [smem:$0x3F9E];
	s0 =	simm.s32 @p0 $0x1  }
0x13: {  	[smem:$0x3FB9] =	sst s0;
	s0 =	simm.s32 @!p1 $0x0  }
0x14: {  	s2 =	sld [smem:$0x3F9D];
	s0 =	simm.s32 @p1 $0x1  }
0x15: {  	[smem:$0x3FBA] =	sst s0;
	s0 =	simm.s32 @!p2 $0x0  }
0x16: {  	s3 =	sld [smem:$0x3FDB];
	s0 =	simm.s32 @p2 $0x1  }
0x17: {  	s4 =	simm.s32 $0x1BF5;
	[smem:$0x3FBC] =	sst s0  }
0x18: {  	s0 =	sld [smem:$0x3F9F];
	_ =	swait.ge [sflag:s4], $0x0  }
0x19: {  	s7 =	sld [smem:$0x3FA0]  }
0x1a: {  	s8 =	sadd.s32 $0xFFFFE003, lr  }
0x1b: {  	s9 =	sadd.s32 $0xFFFFFEF7, lr;
	s5 =	simm.s32 $0xFFFFFFFF;
	p2 =	slt.u32 s8, $0xFFFFF086  }
0x1c: {  	p1 =	slt.u32 s9, $0xF7A;
	s5 =	simm.s32 @!p2 $0x0  }
0x1d: {  	s5 =	simm.s32 @p1 $0x1;
	p0 =	seq.s32 s7, s2  }
0x1e: {  	s7 =	smul.u32 @!p0 $0xF7A, s2;
	p2 =	seq.s32 @!p0 s5, $0x0  }
0x1f: {  	s9 =	smul.u32 $0xF7A, s1;
	s8 =	simm.s32 @!p0 $0x1BF5;
	p2 =	por !p2, p0  }
0x20: {  	[sflag:s8] =	ssyncset.s32 @!p0 $0xFFFFF086;
	s6 =	sadd.s32 @!p0 s3, s7;
	s7 =	simm.s32 @!p0 $0x108  }
0x21: {  	s3 =	sadd.s32 s3, s9;
	s6 =	sadd.s32 @!p0 $0x88, s6;
	s7 =	simm.s32 @p2 $0x1082  }
0x22: {  	[simem:s7], [sflag:s8] =	dma.local @!p0 [hbm:s6], $0xF7A  }
0x23: {  	s9 =	sor.u32 $0xD0000000, s2;
	s6 =	simm.s32 $0x108;
	_ =	swait.ge @!p0 [sflag:s8], $0x0  }
0x24: {  	s3 =	sadd.s32 $0x88, s3;
	s6 =	simm.s32 @!p1 $0x1082;
	[sflag:s4] =	ssyncset.s32 $0xFFFFF086  }
0x25: {  	[simem:s6], [sflag:s4] =	dma.local [hbm:s3], $0xF7A  }
0x26: {  	[smem:$0x3FA0] =	sst s1;
	(tag) =	ssettag s2;
	_ =	strace s9  }
0x27: {  	s1 =	sld [smem:$0x3FB0]  }
0x28: {  	s2 =	sld [smem:$0x3FB1]  }
0x29: {  	s4 =	sld [smem:$0x3FB3]  }
0x2a: {  	p0 =	seq.s32 s5, $0x0;
	s5 =	sld [smem:$0x3FB4]  }
0x2b: {  	s6 =	sld [smem:$0x3FB5]  }
0x2c: {  	s7 =	sld [smem:$0x3FB6]  }
0x2d: {  	s3 =	simm.s32 $0x108;
	s8 =	sld [smem:$0x3FB7]  }
0x2e: {  	s3 =	simm.s32 @!p0 $0x1082;
	s9 =	sld [smem:$0x3FB8]  }
0x2f: {  	lr =	sadd.s32 s0, s3;
	s0 =	sld [smem:$0x3FAF]  }
0x30: {  	s3 =	sld [smem:$0x3FB2]  }
0x31: {  	[smem:$0x3FBB] =	sst s10  }
0x32: {  	s10 =	sld [smem:$0x3FB9];
	_ =	sdelay $0x3  }
0x33: {  	p0 =	seq.s32 s10, $0x1;
	s10 =	sld [smem:$0x3FBB];
	_ =	sdelay $0x3  }
0x34: {  	[smem:$0x3FBB] =	sst s10  }
0x35: {  	s10 =	sld [smem:$0x3FBA];
	_ =	sdelay $0x3  }
0x36: {  	p1 =	seq.s32 s10, $0x1;
	s10 =	sld [smem:$0x3FBB];
	_ =	sdelay $0x3  }
0x37: {  	[smem:$0x3FBB] =	sst s10  }
0x38: {  	s10 =	sld [smem:$0x3FBC]  }
0x39: {  	_ = 	snop;
	(pc) =	sbr.ind lr, $3  }
0x3a: {  	_ = 	snop  }
0x3b: {  	_ = 	snop  }
0x3c: {  	p2 =	seq.s32 s10, $0x1;
	s10 =	sld [smem:$0x3FBB]  }
0x3d: {  	_ =	shalt  }
0x3e: {  	_ =	shalt  }
0x3f: {  	_ =	shalt  }
0x40: {  	_ =	shalt  }
0x41: {  	_ =	shalt  }
0x42: {  	_ =	shalt  }
0x43: {  	_ =	shalt  }
0x44: {  	_ =	shalt  }
0x45: {  	_ =	shalt  }
0x46: {  	_ =	shalt  }
0x47: {  	_ =	shalt  }
0x48: {  	_ =	shalt  }
0x49: {  	_ =	shalt  }
0x4a: {  	_ =	shalt  }
0x4b: {  	_ =	shalt  }
0x4c: {  	_ =	shalt  }
0x4d: {  	_ =	shalt  }
0x4e: {  	_ =	shalt  }
0x4f: {  	_ =	shalt  }
0x50: {  	_ =	shalt  }
0x51: {  	_ =	shalt  }
0x52: {  	_ =	shalt  }
0x53: {  	_ =	shalt  }
0x54: {  	_ =	shalt  }
0x55: {  	_ =	shalt  }
0x56: {  	_ =	shalt  }
0x57: {  	_ =	shalt  }
0x58: {  	_ =	shalt  }
0x59: {  	_ =	shalt  }
0x5a: {  	_ =	shalt  }
0x5b: {  	_ =	shalt  }
0x5c: {  	_ =	shalt  }
0x5d: {  	_ =	shalt  }
0x5e: {  	_ =	shalt  }
0x5f: {  	_ =	shalt  }
0x60: {  	_ =	shalt  }
0x61: {  	_ =	shalt  }
0x62: {  	_ =	shalt  }
0x63: {  	_ =	shalt  }
0x64: {  	_ =	shalt  }
0x65: {  	_ =	shalt  }
0x66: {  	_ =	shalt  }
0x67: {  	_ =	shalt  }
0x68: {  	_ =	shalt  }
0x69: {  	_ =	shalt  }
0x6a: {  	_ =	shalt  }
0x6b: {  	_ =	shalt  }
0x6c: {  	_ =	shalt  }
0x6d: {  	_ =	shalt  }
0x6e: {  	_ =	shalt  }
0x6f: {  	_ =	shalt  }
0x70: {  	_ =	shalt  }
0x71: {  	_ =	shalt  }
0x72: {  	_ =	shalt  }
0x73: {  	_ =	shalt  }
0x74: {  	_ =	shalt  }
0x75: {  	_ =	shalt  }
0x76: {  	_ =	shalt  }
0x77: {  	_ =	shalt  }
0x78: {  	_ =	shalt  }
0x79: {  	_ =	shalt  }
0x7a: {  	_ =	shalt  }
0x7b: {  	_ =	shalt  }
0x7c: {  	_ =	shalt  }
0x7d: {  	_ =	shalt  }
0x7e: {  	_ =	shalt  }
0x7f: {  	_ =	shalt  }
0x80: {  	_ =	shalt  }
0x81: {  	_ =	shalt  }
0x82: {  	_ =	shalt  }
0x83: {  	_ =	shalt  }
0x84: {  	_ =	shalt  }
0x85: {  	_ =	shalt  }
0x86: {  	_ =	shalt  }
0x87: {  	_ =	shalt  }
.Lfunc_end0:
.L_simem_size_0:
called_computation_lowered:
.L_overlay_start_0:
0x88: {  	s2 =	sld [smem:$0x3FD9]  }
0x89: {  	s3 =	sld [smem:$0x3FFE];
	_ =	sdelay $0x1  }
0x8a: {  	s1 =	srdreg.scid  }
0x8b: {  	s0 =	sand.u32 $0x1, s1  }
0x8c: {  	s18 =	sshll.u32 s0, $0xA;
	s2 =	sadd.s32 s3, s2  }
0x8d: {  	s2 =	sadd.s32 s2, s18  }
0x8e: {  	[smem:$0x3FC7] =	sst s2  }
0x8f: {  	_ = 	snop  }
0x90: {  	s2 =	sld [smem:$0x3FC9]  }
0x91: {  	s19 =	sld [smem:$0x3FD0];
	(tm) =	ssettm $0x1  }
0x92: {  	s4 =	sld [smem:$0x3FFB];
	_ =	sdelay $0x3  }
0x93: {  	_ =	strace s4  }
0x94: {  	s4 =	sld [smem:$0x3FFC];
	_ =	sdelay $0x3  }
0x95: {  	_ =	strace s4  }
0x96: {  	s4 =	sld [smem:$0x3FFD];
	_ =	sdelay $0x3  }
0x97: {  	_ =	strace s4  }
0x98: {  	_ =	strace $0x8FFFFFFF  }
0x99: {  	s20 =	sld [smem:$0x3FDB];
	_ =	sdelay $0x1  }
0x9a: {  	s5 =	simm.s32 $_scs_section_size  }
0x9b: {  	s6 =	simm.s32 $_size__tile_overlayer_lowered;
	s7 =	simm.s32 $_tile_overlayer_lowered  }
0x9c: {  	s23 =	simm.s32 $0x1BFF;
	s22 =	sshll.u32 s7, $0x1;
	s4 =	sadd.s32 s5, s20  }
0x9d: {  	s8 =	simm.s32 $0x0;
	s21 =	sshll.u32 s6, $0x1;
	s6 =	sadd.s32 s22, s4  }
0x9e: {  	[timem:s8], [sflag:s23] =	dma.local [hbm:s6], s21  }
0x9f: {  	_ =	swait.ge [sflag:s23], s21  }
0xa0: {  	s5 =	ssub.s32 $0x0, s21;
	[sflag:s23] =	ssyncset.done $0x0  }
0xa1: {  	[sflag:s23] =	ssyncadd.s32 s5;
	_ =	sdelay $0x1  }
0xa2: {  	s24 =	simm.s32 $0x1B8B  }
0xa3: {  	_ =	swait.ge [sflag:s24], $0x1  }
0xa4: {  	[sflag:s24] =	ssyncset.done $0x0  }
0xa5: {  	s25 =	simm.s32 $0x1B8E;
	[sflag:s24] =	ssyncadd.s32 $0xFFFFFFFF  }
0xa6: {  	s26 =	simm.s32 $execute0_lowered;
	[smem:$0x3FD2] =	sst s25  }
0xa7: {  	s5 =	sshll.u32 s26, $0x1;
	_ =	strace $0x80000046;
	[dreg:$0x1] =	wrdreg $0xFFFFFFFF  }
0xa8: {  	s28 =	simm.s32 $_size_execute0_lowered;
	s4 =	sadd.s32 s4, s5;
	[dreg:$0x0] =	wrdreg $0x0  }
0xa9: {  	s5 =	sshll.u32 s28, $0x1;
	[dreg:$0x2] =	wrdreg s4  }
0xaa: {  	[dreg:$0x3] =	wrdreg s5  }
0xab: {  	[dreg:$0x4] =	wrdreg $0xC0  }
0xac: {  	_ =	task [dreg:s8], $0x5FFFF  }
0xad: {  	[dreg:$0x1] =	wrdreg $0xFFFFFFFF  }
0xae: {  	[dreg:$0x0] =	wrdreg $0x60  }
0xaf: {  	[dreg:$0x2] =	wrdreg s2  }
0xb0: {  	[dreg:$0x3] =	wrdreg s19  }
0xb1: {  	[dreg:$0x4] =	wrdreg $0x9  }
0xb2: {  	_ =	task.clear_ibuf [dreg:s8], $0x5FFFF;
	_ =	strace $0x90000046  }
0xb3: {  	s29 =	simm.s32 $0x9;
	_ =	strace $0x80000048  }
0xb4: {  	_ =	swait.ge [sflag:s29], $0x1  }
0xb5: {  	[sflag:s29] =	ssyncadd.s32 $0xFFFFFFFF  }
0xb6: {  	_ =	strace $0x90000048  }
0xb7: {  	_ =	sfence  }
0xb8: {  	s30 =	sld [smem:$0x0];
	_ =	sdelay $0x2  }
0xb9: {  	s31 =	sshll.u32 s1, $0xD;
	s1 =	sshrl.u32 s1, $0x2  }
0xba: {  	s3 =	sand.u32 $0x4000, s31;
	s1 =	sadd.s32 s1, s30  }
0xbb: {  	s0 =	sor.u32 s3, s0;
	s1 =	sshll.u32 s1, $0x11  }
0xbc: {  	s0 =	sor.u32 s1, s0  }
0xbd: {  	s0 =	sadd.s32 $0x8F2B, s0  }
0xbe: {  	[sflag:s0] =	ssyncadd.remote.s32 $0x1  }
0xbf: {  	_ =	sfence.sel $0xFFFF  }
0xc0: {  	[dreg:$0x0] =	wrdreg $0xFFFFFFFF;
	(pc) =	sbr.abs _section_cstart, $3  }
0xc1: {  	[dreg:$0x1] =	wrdreg $0xFFFFFFFF  }
0xc2: {  	_ =	task.clear_ibuf [dreg:s8], $0x2FFFF;
	_ =	strace $0x9FFFFFFF  }
0xc3: {  	(tm) =	ssettm $0x7FFFFFFF  }
tec
execute0_lowered:
.L_overlay_start_1:
0x0: {  	(tag) =	ssettag $0x1  }
0x1: {  	s1 =	srdreg.scid;
	v0 =	vlaneseq.u32  }
0x2: {  	s3 =	rddreg [dreg:$0x0];
	s0 =	stileid.u32;
	v0 =	vmul.u32 $0x80, v0  }
0x3: {  	s5 =	rddreg [dreg:$0x1];
	s11 =	simm.s32 $0x6400;
	s12 =	simm.s32 $0xC800  }
0x4: {  	v1 =	vimm.f32 $0.0e+00;
	v2 =	vimm.f32 $1.000000000e+00;
	s13 =	simm.s32 $0x1;
	s14 =	simm.s32 $0x2;
	s15 =	simm.s32 $0x0;
	v3 =	vor.u32 $0x800, v0  }
0x5: {  	s4 =	sand.u32 $0x1, s1;
	s2 =	sshll.u32 s0, $0x8;
	s1 =	rddreg [dreg:$0x2];
	v4 =	vor.u32 $0x1000, v0;
	v5 =	vor.u32 $0x1800, v0;
	v6 =	vor.u32 $0x2000, v0  }
0x6: {  	s10 =	smul.u32 $0xC8000, s0;
	s6 =	sshll.u32 s4, $0x7;
	s7 =	ssub.s32 $0x2, s4;
	v7 =	vor.u32 $0x2800, v0;
	v8 =	vor.u32 $0x3000, v0;
	v9 =	vor.u32 $0x3800, v0  }
0x7: {  	s29 =	smul.u32 $0x64000, s4;
	s6 =	sor.u32 s6, s2;
	s2 =	simm.s32 $0x0;
	v10 =	vor.u32 $0x4000, v0;
	v11 =	vor.u32 $0x4800, v0;
	v12 =	vor.u32 $0x5000, v0  }
0x8: {  	s9 =	sshrl.u32 s7, $0x1;
	s30 =	sadd.s32 s10, s5;
	v13 =	vor.u32 $0x5800, v0;
	v14 =	vadd.s32 $0x5C00, v0;
	v15 =	vor.u32 $0x1, v0;
	s10 =	simm.s32 $0x3  }
0x9: {  	v16 =	vor.u32 $0x801, v0;
	v17 =	vor.u32 $0x1001, v0;
	v18 =	vor.u32 $0x1801, v0;
	s8 =	smul.u32 $0xC80, s6;
	[smem:$0x7FF] =	sst s2;
	s7 =	ssub.s32 s7, s9  }
0xa: {  	v19 =	vor.u32 $0x2001, v0;
	v20 =	vor.u32 $0x2801, v0;
	v21 =	vor.u32 $0x3001, v0;
	s3 =	sadd.s32 s3, s6;
	s31 =	sadd.s32 s29, s30;
	s9 =	simm.s32 $0x8000  }
0xb: {  	v22 =	vor.u32 $0x3801, v0;
	v23 =	vor.u32 $0x4001, v0;
	v24 =	vor.u32 $0x4801, v0;
	_ =	strace $0x80000047;
	s6 =	smax.u32 s7, $0x1;
	s4 =	sadd.s32 s5, s8  }
0xc: {  	v25 =	vor.u32 $0x5001, v0;
	v26 =	vor.u32 $0x5801, v0;
	v27 =	vadd.s32 $0x5C01, v0;
	s7 =	sadd.s32 $0x2580, s31;
	s8 =	simm.s32 $0x400;
	s5 =	sadd.s32 $0xC80, s4  }
.LBB2_1:
0xd: {  	[tilespmem:s2], [sflag:$0x3] =	stream.strided.gather [hbm4b:s3+s8], $0x6400, s9, s8, $0x38;
	[tilespmem:$0x12C00] =	vst v63  }
0xe: {  	_ =	swait.ge [sflag:s10], $0x6400  }
0xf: {  	[sflag:s10] =	ssyncset.done $0x0  }
0x10: {  	s16 =	simm.s32 $0x0;
	s17 =	simm.s32 $0x200;
	[sflag:s10] =	ssyncadd.s32 $0xFFFF9C00  }
.LBB2_2:
0x11: {  	p0 =	sne.s32 s17, $0x18E00;
	[tilespmem:s16+$0x6470] =	vst v1  }
0x12: {  	[tilespmem:s16+$0x6400] =	vst v1  }
0x13: {  	[tilespmem:s16+$0x6410] =	vst v1  }
.Ltmp0:
0x14: {  	[tilespmem:s16+$0x6420] =	vst v1;
	(pc) =	sbr.rel @p0 .LBB2_2-.Ltmp0, $4  }
0x15: {  	[tilespmem:s16+$0x6430] =	vst v1  }
0x16: {  	[tilespmem:s16+$0x6440] =	vst v1  }
0x17: {  	[tilespmem:s16+$0x6450] =	vst v1  }
0x18: {  	[tilespmem:s16+$0x6460] =	vst v1;
	s16 =	sshra.s32 s17, $0x2;
	s17 =	sadd.s32 $0x200, s17  }
0x19: {  	[tilespmem:s16+$0x6470] =	vst v1  }
0x1a: {  	[tilespmem:s16+$0x6400] =	vst v1  }
0x1b: {  	[tilespmem:s16+$0x6410] =	vst v1  }
0x1c: {  	[tilespmem:s16+$0x6420] =	vst v1  }
0x1d: {  	[tilespmem:s16+$0x6430] =	vst v1  }
0x1e: {  	[tilespmem:s16+$0x6440] =	vst v1  }
0x1f: {  	[tilespmem:s16+$0x6450] =	vst v1  }
0x20: {  	[tilespmem:s16+$0x6460] =	vst v1;
	s31 =	simm.s32 $0x0  }
0x21: {  	v28 =	vld.idx.msk [tilespmem:v0+s31+$0x0], $0xffff;
	_ =	sdelay $0x4  }
0x22: {  	v28 =	vadd.s32 v0, v28;
	_ =	sdelay $0x4  }
0x23: {  	[tilespmem:v28+s11+$0x0] =	vst.idx.msk $0xffff, v2  }
0x24: {  	v28 =	vld.idx.msk [tilespmem:v3+s31+$0x0], $0xffff;
	_ =	sdelay $0x4  }
0x25: {  	v28 =	vadd.s32 v3, v28;
	_ =	sdelay $0x4  }
0x26: {  	[tilespmem:v28+s11+$0x0] =	vst.idx.msk $0xffff, v2  }
0x27: {  	v28 =	vld.idx.msk [tilespmem:v4+s31+$0x0], $0xffff;
	_ =	sdelay $0x4  }
0x28: {  	v28 =	vadd.s32 v4, v28;
	_ =	sdelay $0x4  }
0x29: {  	[tilespmem:v28+s11+$0x0] =	vst.idx.msk $0xffff, v2  }
0x2a: {  	v28 =	vld.idx.msk [tilespmem:v5+s31+$0x0], $0xffff;
	_ =	sdelay $0x4  }
0x2b: {  	v28 =	vadd.s32 v5, v28;
	_ =	sdelay $0x4  }
0x2c: {  	[tilespmem:v28+s11+$0x0] =	vst.idx.msk $0xffff, v2  }
0x2d: {  	v28 =	vld.idx.msk [tilespmem:v6+s31+$0x0], $0xffff;
	_ =	sdelay $0x4  }
0x2e: {  	v28 =	vadd.s32 v6, v28;
	_ =	sdelay $0x4  }
0x2f: {  	[tilespmem:v28+s11+$0x0] =	vst.idx.msk $0xffff, v2  }
0x30: {  	v28 =	vld.idx.msk [tilespmem:v7+s31+$0x0], $0xffff;
	_ =	sdelay $0x4  }
0x31: {  	v28 =	vadd.s32 v7, v28;
	_ =	sdelay $0x4  }
0x32: {  	[tilespmem:v28+s11+$0x0] =	vst.idx.msk $0xffff, v2  }
0x33: {  	v28 =	vld.idx.msk [tilespmem:v8+s31+$0x0], $0xffff;
	_ =	sdelay $0x4  }
0x34: {  	v28 =	vadd.s32 v8, v28;
	_ =	sdelay $0x4  }
0x35: {  	[tilespmem:v28+s11+$0x0] =	vst.idx.msk $0xffff, v2  }
0x36: {  	v28 =	vld.idx.msk [tilespmem:v9+s31+$0x0], $0xffff;
	_ =	sdelay $0x4  }
0x37: {  	v28 =	vadd.s32 v9, v28;
	_ =	sdelay $0x4  }
0x38: {  	[tilespmem:v28+s11+$0x0] =	vst.idx.msk $0xffff, v2  }
0x39: {  	v28 =	vld.idx.msk [tilespmem:v10+s31+$0x0], $0xffff;
	_ =	sdelay $0x4  }
0x3a: {  	v28 =	vadd.s32 v10, v28;
	_ =	sdelay $0x4  }
0x3b: {  	[tilespmem:v28+s11+$0x0] =	vst.idx.msk $0xffff, v2  }
0x3c: {  	v28 =	vld.idx.msk [tilespmem:v11+s31+$0x0], $0xffff;
	_ =	sdelay $0x4  }
0x3d: {  	v28 =	vadd.s32 v11, v28;
	_ =	sdelay $0x4  }
0x3e: {  	[tilespmem:v28+s11+$0x0] =	vst.idx.msk $0xffff, v2  }
0x3f: {  	v28 =	vld.idx.msk [tilespmem:v12+s31+$0x0], $0xffff;
	_ =	sdelay $0x4  }
0x40: {  	v28 =	vadd.s32 v12, v28;
	_ =	sdelay $0x4  }
0x41: {  	[tilespmem:v28+s11+$0x0] =	vst.idx.msk $0xffff, v2  }
0x42: {  	v28 =	vld.idx.msk [tilespmem:v13+s31+$0x0], $0xffff;
	_ =	sdelay $0x4  }
0x43: {  	v28 =	vadd.s32 v13, v28;
	_ =	sdelay $0x4  }
0x44: {  	[tilespmem:v28+s11+$0x0] =	vst.idx.msk $0xffff, v2  }
0x45: {  	v28 =	vld.idx.msk [tilespmem:v14+s31+$0x0], $0xffff;
	_ =	sdelay $0x4  }
0x46: {  	v28 =	vadd.s32 v14, v28;
	_ =	sdelay $0x4  }
0x47: {  	s16 =	simm.s32 $0x0;
	s17 =	simm.s32 $0x200;
	[tilespmem:v28+s11+$0x0] =	vst.idx.msk $0xffff, v2  }
0x48: {  	[hbm4b:s4+s31] =	stream.linear.scatter [tilespmem:s11], [sflag:$0x1], $0x6400, $0x38;
	[tilespmem:$0x12C00] =	vst v63  }
.LBB2_4:
0x49: {  	p0 =	sne.s32 s17, $0x18E00;
	[tilespmem:s16+$0xC870] =	vst v1  }
0x4a: {  	[tilespmem:s16+$0xC800] =	vst v1  }
0x4b: {  	[tilespmem:s16+$0xC810] =	vst v1  }
.Ltmp1:
0x4c: {  	[tilespmem:s16+$0xC820] =	vst v1;
	(pc) =	sbr.rel @p0 .LBB2_4-.Ltmp1, $4  }
0x4d: {  	[tilespmem:s16+$0xC830] =	vst v1  }
0x4e: {  	[tilespmem:s16+$0xC840] =	vst v1  }
0x4f: {  	[tilespmem:s16+$0xC850] =	vst v1  }
0x50: {  	[tilespmem:s16+$0xC860] =	vst v1;
	s16 =	sshra.s32 s17, $0x2;
	s17 =	sadd.s32 $0x200, s17  }
0x51: {  	[tilespmem:s16+$0xC870] =	vst v1  }
0x52: {  	[tilespmem:s16+$0xC800] =	vst v1  }
0x53: {  	[tilespmem:s16+$0xC810] =	vst v1  }
0x54: {  	[tilespmem:s16+$0xC820] =	vst v1  }
0x55: {  	[tilespmem:s16+$0xC830] =	vst v1  }
0x56: {  	[tilespmem:s16+$0xC840] =	vst v1  }
0x57: {  	[tilespmem:s16+$0xC850] =	vst v1  }
0x58: {  	[tilespmem:s16+$0xC860] =	vst v1;
	s16 =	simm.s32 $0x0  }
0x59: {  	v28 =	vld.idx.msk [tilespmem:v15+s16+$0x0], $0xffff;
	_ =	sdelay $0x4  }
0x5a: {  	v28 =	vadd.s32 v0, v28;
	_ =	sdelay $0x4  }
0x5b: {  	[tilespmem:v28+s12+$0x0] =	vst.idx.msk $0xffff, v2  }
0x5c: {  	v28 =	vld.idx.msk [tilespmem:v16+s16+$0x0], $0xffff;
	_ =	sdelay $0x4  }
0x5d: {  	v28 =	vadd.s32 v3, v28;
	_ =	sdelay $0x4  }
0x5e: {  	[tilespmem:v28+s12+$0x0] =	vst.idx.msk $0xffff, v2  }
0x5f: {  	v28 =	vld.idx.msk [tilespmem:v17+s16+$0x0], $0xffff;
	_ =	sdelay $0x4  }
0x60: {  	v28 =	vadd.s32 v4, v28;
	_ =	sdelay $0x4  }
0x61: {  	[tilespmem:v28+s12+$0x0] =	vst.idx.msk $0xffff, v2  }
0x62: {  	v28 =	vld.idx.msk [tilespmem:v18+s16+$0x0], $0xffff;
	_ =	sdelay $0x4  }
0x63: {  	v28 =	vadd.s32 v5, v28;
	_ =	sdelay $0x4  }
0x64: {  	[tilespmem:v28+s12+$0x0] =	vst.idx.msk $0xffff, v2  }
0x65: {  	v28 =	vld.idx.msk [tilespmem:v19+s16+$0x0], $0xffff;
	_ =	sdelay $0x4  }
0x66: {  	v28 =	vadd.s32 v6, v28;
	_ =	sdelay $0x4  }
0x67: {  	[tilespmem:v28+s12+$0x0] =	vst.idx.msk $0xffff, v2  }
0x68: {  	v28 =	vld.idx.msk [tilespmem:v20+s16+$0x0], $0xffff;
	_ =	sdelay $0x4  }
0x69: {  	v28 =	vadd.s32 v7, v28;
	_ =	sdelay $0x4  }
0x6a: {  	[tilespmem:v28+s12+$0x0] =	vst.idx.msk $0xffff, v2  }
0x6b: {  	v28 =	vld.idx.msk [tilespmem:v21+s16+$0x0], $0xffff;
	_ =	sdelay $0x4  }
0x6c: {  	v28 =	vadd.s32 v8, v28;
	_ =	sdelay $0x4  }
0x6d: {  	[tilespmem:v28+s12+$0x0] =	vst.idx.msk $0xffff, v2  }
0x6e: {  	v28 =	vld.idx.msk [tilespmem:v22+s16+$0x0], $0xffff;
	_ =	sdelay $0x4  }
0x6f: {  	v28 =	vadd.s32 v9, v28;
	_ =	sdelay $0x4  }
0x70: {  	[tilespmem:v28+s12+$0x0] =	vst.idx.msk $0xffff, v2  }
0x71: {  	v28 =	vld.idx.msk [tilespmem:v23+s16+$0x0], $0xffff;
	_ =	sdelay $0x4  }
0x72: {  	v28 =	vadd.s32 v10, v28;
	_ =	sdelay $0x4  }
0x73: {  	[tilespmem:v28+s12+$0x0] =	vst.idx.msk $0xffff, v2  }
0x74: {  	v28 =	vld.idx.msk [tilespmem:v24+s16+$0x0], $0xffff;
	_ =	sdelay $0x4  }
0x75: {  	v28 =	vadd.s32 v11, v28;
	_ =	sdelay $0x4  }
0x76: {  	[tilespmem:v28+s12+$0x0] =	vst.idx.msk $0xffff, v2  }
0x77: {  	v28 =	vld.idx.msk [tilespmem:v25+s16+$0x0], $0xffff;
	_ =	sdelay $0x4  }
0x78: {  	v28 =	vadd.s32 v12, v28;
	_ =	sdelay $0x4  }
0x79: {  	[tilespmem:v28+s12+$0x0] =	vst.idx.msk $0xffff, v2  }
0x7a: {  	v28 =	vld.idx.msk [tilespmem:v26+s16+$0x0], $0xffff;
	_ =	sdelay $0x4  }
0x7b: {  	v28 =	vadd.s32 v13, v28;
	_ =	sdelay $0x4  }
0x7c: {  	[tilespmem:v28+s12+$0x0] =	vst.idx.msk $0xffff, v2  }
0x7d: {  	v28 =	vld.idx.msk [tilespmem:v27+s16+$0x0], $0xffff;
	_ =	sdelay $0x4  }
0x7e: {  	v28 =	vadd.s32 v14, v28;
	_ =	sdelay $0x4  }
0x7f: {  	s17 =	smov.u32 s7;
	[tilespmem:v28+s12+$0x0] =	vst.idx.msk $0xffff, v2  }
0x80: {  	[hbm4b:s5+s16] =	stream.linear.scatter [tilespmem:s12], [sflag:$0x2], $0x6400, $0x38;
	[tilespmem:$0x12C00] =	vst v63  }
.LBB2_6:
0x81: {  	v28 =	vmov s16  }
0x82: {  	v28 =	vand.u32 $0xFFFFFFFE, v28  }
0x83: {  	v29 =	vadd.s32 v0, v28;
	_ =	sdelay $0x1  }
0x84: {  	_ =	swait.ge [sflag:s13], $0x6400  }
0x85: {  	[sflag:s13] =	ssyncset.done $0x0  }
0x86: {  	[sflag:s13] =	ssyncadd.s32 $0xFFFF9C00  }
0x87: {  	v29 =	vld.idx.msk [tilespmem:v29+s2+$0x0], $0xffff;
	_ =	sdelay $0x4  }
0x88: {  	v29 =	vadd.s32 v0, v29  }
0x89: {  	v30 =	vadd.s32 v3, v28;
	_ =	sdelay $0x3  }
0x8a: {  	[tilespmem:v29+s11+$0x0] =	vst.idx.msk $0xffff, v1  }
0x8b: {  	v29 =	vld.idx.msk [tilespmem:v30+s2+$0x0], $0xffff;
	_ =	sdelay $0x4  }
0x8c: {  	v29 =	vadd.s32 v3, v29  }
0x8d: {  	v61 =	vadd.s32 v4, v28;
	_ =	sdelay $0x3  }
0x8e: {  	[tilespmem:v29+s11+$0x0] =	vst.idx.msk $0xffff, v1  }
0x8f: {  	v29 =	vld.idx.msk [tilespmem:v61+s2+$0x0], $0xffff;
	_ =	sdelay $0x4  }
0x90: {  	v29 =	vadd.s32 v4, v29  }
0x91: {  	v62 =	vadd.s32 v5, v28;
	_ =	sdelay $0x3  }
0x92: {  	[tilespmem:v29+s11+$0x0] =	vst.idx.msk $0xffff, v1  }
0x93: {  	v29 =	vld.idx.msk [tilespmem:v62+s2+$0x0], $0xffff;
	_ =	sdelay $0x4  }
0x94: {  	v29 =	vadd.s32 v5, v29  }
0x95: {  	v63 =	vadd.s32 v6, v28;
	_ =	sdelay $0x3  }
0x96: {  	[tilespmem:v29+s11+$0x0] =	vst.idx.msk $0xffff, v1  }
0x97: {  	v29 =	vld.idx.msk [tilespmem:v63+s2+$0x0], $0xffff;
	_ =	sdelay $0x4  }
0x98: {  	v29 =	vadd.s32 v6, v29  }
0x99: {  	v33 =	vadd.s32 v7, v28;
	_ =	sdelay $0x3  }
0x9a: {  	[tilespmem:v29+s11+$0x0] =	vst.idx.msk $0xffff, v1  }
0x9b: {  	v29 =	vld.idx.msk [tilespmem:v33+s2+$0x0], $0xffff;
	_ =	sdelay $0x4  }
0x9c: {  	v29 =	vadd.s32 v7, v29  }
0x9d: {  	v34 =	vadd.s32 v8, v28;
	_ =	sdelay $0x3  }
0x9e: {  	[tilespmem:v29+s11+$0x0] =	vst.idx.msk $0xffff, v1  }
0x9f: {  	v29 =	vld.idx.msk [tilespmem:v34+s2+$0x0], $0xffff;
	_ =	sdelay $0x4  }
0xa0: {  	v29 =	vadd.s32 v8, v29  }
0xa1: {  	v35 =	vadd.s32 v9, v28;
	_ =	sdelay $0x3  }
0xa2: {  	[tilespmem:v29+s11+$0x0] =	vst.idx.msk $0xffff, v1  }
0xa3: {  	v29 =	vld.idx.msk [tilespmem:v35+s2+$0x0], $0xffff;
	_ =	sdelay $0x4  }
0xa4: {  	v29 =	vadd.s32 v9, v29  }
0xa5: {  	v36 =	vadd.s32 v10, v28;
	_ =	sdelay $0x3  }
0xa6: {  	[tilespmem:v29+s11+$0x0] =	vst.idx.msk $0xffff, v1  }
0xa7: {  	v29 =	vld.idx.msk [tilespmem:v36+s2+$0x0], $0xffff;
	_ =	sdelay $0x4  }
0xa8: {  	v29 =	vadd.s32 v10, v29  }
0xa9: {  	v37 =	vadd.s32 v11, v28;
	_ =	sdelay $0x3  }
0xaa: {  	[tilespmem:v29+s11+$0x0] =	vst.idx.msk $0xffff, v1  }
0xab: {  	v29 =	vld.idx.msk [tilespmem:v37+s2+$0x0], $0xffff;
	_ =	sdelay $0x4  }
0xac: {  	v29 =	vadd.s32 v11, v29  }
0xad: {  	v38 =	vadd.s32 v12, v28;
	_ =	sdelay $0x3  }
0xae: {  	[tilespmem:v29+s11+$0x0] =	vst.idx.msk $0xffff, v1  }
0xaf: {  	v29 =	vld.idx.msk [tilespmem:v38+s2+$0x0], $0xffff;
	_ =	sdelay $0x4  }
0xb0: {  	v29 =	vadd.s32 v12, v29  }
0xb1: {  	v39 =	vadd.s32 v13, v28;
	_ =	sdelay $0x3  }
0xb2: {  	[tilespmem:v29+s11+$0x0] =	vst.idx.msk $0xffff, v1  }
0xb3: {  	v29 =	vld.idx.msk [tilespmem:v39+s2+$0x0], $0xffff;
	_ =	sdelay $0x4  }
0xb4: {  	v29 =	vadd.s32 v13, v29  }
0xb5: {  	v28 =	vadd.s32 v14, v28;
	_ =	sdelay $0x3  }
0xb6: {  	[tilespmem:v29+s11+$0x0] =	vst.idx.msk $0xffff, v1  }
0xb7: {  	v28 =	vld.idx.msk [tilespmem:v28+s2+$0x0], $0xffff;
	_ =	sdelay $0x2  }
0xb8: {  	s18 =	sadd.s32 $0x2, s16  }
0xb9: {  	v29 =	vmov s18  }
0xba: {  	v29 =	vand.u32 $0xFE, v29;
	v28 =	vadd.s32 v14, v28  }
0xbb: {  	v40 =	vadd.s32 v0, v29;
	_ =	sdelay $0x3  }
0xbc: {  	[tilespmem:v28+s11+$0x0] =	vst.idx.msk $0xffff, v1  }
0xbd: {  	v28 =	vld.idx.msk [tilespmem:v40+s2+$0x0], $0xffff;
	_ =	sdelay $0x4  }
0xbe: {  	v28 =	vadd.s32 v0, v28  }
0xbf: {  	v41 =	vadd.s32 v3, v29;
	_ =	sdelay $0x3  }
0xc0: {  	[tilespmem:v28+s11+$0x0] =	vst.idx.msk $0xffff, v2  }
0xc1: {  	v28 =	vld.idx.msk [tilespmem:v41+s2+$0x0], $0xffff;
	_ =	sdelay $0x4  }
0xc2: {  	v28 =	vadd.s32 v3, v28  }
0xc3: {  	v42 =	vadd.s32 v4, v29;
	_ =	sdelay $0x3  }
0xc4: {  	[tilespmem:v28+s11+$0x0] =	vst.idx.msk $0xffff, v2  }
0xc5: {  	v28 =	vld.idx.msk [tilespmem:v42+s2+$0x0], $0xffff;
	_ =	sdelay $0x4  }
0xc6: {  	v28 =	vadd.s32 v4, v28  }
0xc7: {  	v43 =	vadd.s32 v5, v29;
	_ =	sdelay $0x3  }
0xc8: {  	[tilespmem:v28+s11+$0x0] =	vst.idx.msk $0xffff, v2  }
0xc9: {  	v28 =	vld.idx.msk [tilespmem:v43+s2+$0x0], $0xffff;
	_ =	sdelay $0x4  }
0xca: {  	v28 =	vadd.s32 v5, v28  }
0xcb: {  	v44 =	vadd.s32 v6, v29;
	_ =	sdelay $0x3  }
0xcc: {  	[tilespmem:v28+s11+$0x0] =	vst.idx.msk $0xffff, v2  }
0xcd: {  	v28 =	vld.idx.msk [tilespmem:v44+s2+$0x0], $0xffff;
	_ =	sdelay $0x4  }
0xce: {  	v28 =	vadd.s32 v6, v28  }
0xcf: {  	v45 =	vadd.s32 v7, v29;
	_ =	sdelay $0x3  }
0xd0: {  	[tilespmem:v28+s11+$0x0] =	vst.idx.msk $0xffff, v2  }
0xd1: {  	v28 =	vld.idx.msk [tilespmem:v45+s2+$0x0], $0xffff;
	_ =	sdelay $0x4  }
0xd2: {  	v28 =	vadd.s32 v7, v28  }
0xd3: {  	v46 =	vadd.s32 v8, v29;
	_ =	sdelay $0x3  }
0xd4: {  	[tilespmem:v28+s11+$0x0] =	vst.idx.msk $0xffff, v2  }
0xd5: {  	v28 =	vld.idx.msk [tilespmem:v46+s2+$0x0], $0xffff;
	_ =	sdelay $0x4  }
0xd6: {  	v28 =	vadd.s32 v8, v28  }
0xd7: {  	v47 =	vadd.s32 v9, v29;
	_ =	sdelay $0x3  }
0xd8: {  	[tilespmem:v28+s11+$0x0] =	vst.idx.msk $0xffff, v2  }
0xd9: {  	v28 =	vld.idx.msk [tilespmem:v47+s2+$0x0], $0xffff;
	_ =	sdelay $0x4  }
0xda: {  	v28 =	vadd.s32 v9, v28  }
0xdb: {  	v48 =	vadd.s32 v10, v29;
	_ =	sdelay $0x3  }
0xdc: {  	[tilespmem:v28+s11+$0x0] =	vst.idx.msk $0xffff, v2  }
0xdd: {  	v28 =	vld.idx.msk [tilespmem:v48+s2+$0x0], $0xffff;
	_ =	sdelay $0x4  }
0xde: {  	v28 =	vadd.s32 v10, v28  }
0xdf: {  	v49 =	vadd.s32 v11, v29;
	_ =	sdelay $0x3  }
0xe0: {  	[tilespmem:v28+s11+$0x0] =	vst.idx.msk $0xffff, v2  }
0xe1: {  	v28 =	vld.idx.msk [tilespmem:v49+s2+$0x0], $0xffff;
	_ =	sdelay $0x4  }
0xe2: {  	v28 =	vadd.s32 v11, v28  }
0xe3: {  	v50 =	vadd.s32 v12, v29;
	_ =	sdelay $0x3  }
0xe4: {  	[tilespmem:v28+s11+$0x0] =	vst.idx.msk $0xffff, v2  }
0xe5: {  	v28 =	vld.idx.msk [tilespmem:v50+s2+$0x0], $0xffff;
	_ =	sdelay $0x4  }
0xe6: {  	v28 =	vadd.s32 v12, v28  }
0xe7: {  	v51 =	vadd.s32 v13, v29;
	_ =	sdelay $0x3  }
0xe8: {  	[tilespmem:v28+s11+$0x0] =	vst.idx.msk $0xffff, v2  }
0xe9: {  	v28 =	vld.idx.msk [tilespmem:v51+s2+$0x0], $0xffff;
	_ =	sdelay $0x4  }
0xea: {  	v28 =	vadd.s32 v13, v28  }
0xeb: {  	v29 =	vadd.s32 v14, v29;
	_ =	sdelay $0x3  }
0xec: {  	[tilespmem:v28+s11+$0x0] =	vst.idx.msk $0xffff, v2  }
0xed: {  	v28 =	vld.idx.msk [tilespmem:v29+s2+$0x0], $0xffff;
	_ =	sdelay $0x4  }
0xee: {  	v28 =	vadd.s32 v14, v28;
	_ =	sdelay $0x3  }
0xef: {  	s19 =	sadd.s32 $0x1, s16  }
0xf0: {  	s20 =	sadd.s32 $0xFFFFF380, s17;
	[tilespmem:v28+s11+$0x0] =	vst.idx.msk $0xffff, v2;
	v28 =	vadd.s32 s19, v0  }
0xf1: {  	[hbm4b:s20+s2] =	stream.linear.scatter [tilespmem:s11], [sflag:$0x1], $0x6400, $0x38;
	[tilespmem:$0x12C00] =	vst v63  }
0xf2: {  	_ =	swait.ge [sflag:s14], $0x6400  }
0xf3: {  	[sflag:s14] =	ssyncset.done $0x0  }
0xf4: {  	[sflag:s14] =	ssyncadd.s32 $0xFFFF9C00  }
0xf5: {  	v28 =	vld.idx.msk [tilespmem:v28+s2+$0x0], $0xffff;
	_ =	sdelay $0x4  }
0xf6: {  	v28 =	vadd.s32 v0, v28  }
0xf7: {  	v29 =	vadd.s32 s19, v3;
	_ =	sdelay $0x3  }
0xf8: {  	[tilespmem:v28+s12+$0x0] =	vst.idx.msk $0xffff, v1  }
0xf9: {  	v28 =	vld.idx.msk [tilespmem:v29+s2+$0x0], $0xffff;
	_ =	sdelay $0x4  }
0xfa: {  	v28 =	vadd.s32 v3, v28  }
0xfb: {  	v29 =	vadd.s32 s19, v4;
	_ =	sdelay $0x3  }
0xfc: {  	[tilespmem:v28+s12+$0x0] =	vst.idx.msk $0xffff, v1  }
0xfd: {  	v28 =	vld.idx.msk [tilespmem:v29+s2+$0x0], $0xffff;
	_ =	sdelay $0x4  }
0xfe: {  	v28 =	vadd.s32 v4, v28  }
0xff: {  	v29 =	vadd.s32 s19, v5;
	_ =	sdelay $0x3  }
0x100: {  	[tilespmem:v28+s12+$0x0] =	vst.idx.msk $0xffff, v1  }
0x101: {  	v28 =	vld.idx.msk [tilespmem:v29+s2+$0x0], $0xffff;
	_ =	sdelay $0x4  }
0x102: {  	v28 =	vadd.s32 v5, v28  }
0x103: {  	v29 =	vadd.s32 s19, v6;
	_ =	sdelay $0x3  }
0x104: {  	[tilespmem:v28+s12+$0x0] =	vst.idx.msk $0xffff, v1  }
0x105: {  	v28 =	vld.idx.msk [tilespmem:v29+s2+$0x0], $0xffff;
	_ =	sdelay $0x4  }
0x106: {  	v28 =	vadd.s32 v6, v28  }
0x107: {  	v29 =	vadd.s32 s19, v7;
	_ =	sdelay $0x3  }
0x108: {  	[tilespmem:v28+s12+$0x0] =	vst.idx.msk $0xffff, v1  }
0x109: {  	v28 =	vld.idx.msk [tilespmem:v29+s2+$0x0], $0xffff;
	_ =	sdelay $0x4  }
0x10a: {  	v28 =	vadd.s32 v7, v28  }
0x10b: {  	v29 =	vadd.s32 s19, v8;
	_ =	sdelay $0x3  }
0x10c: {  	[tilespmem:v28+s12+$0x0] =	vst.idx.msk $0xffff, v1  }
0x10d: {  	v28 =	vld.idx.msk [tilespmem:v29+s2+$0x0], $0xffff;
	_ =	sdelay $0x4  }
0x10e: {  	v28 =	vadd.s32 v8, v28  }
0x10f: {  	v29 =	vadd.s32 s19, v9;
	_ =	sdelay $0x3  }
0x110: {  	[tilespmem:v28+s12+$0x0] =	vst.idx.msk $0xffff, v1  }
0x111: {  	v28 =	vld.idx.msk [tilespmem:v29+s2+$0x0], $0xffff;
	_ =	sdelay $0x4  }
0x112: {  	v28 =	vadd.s32 v9, v28  }
0x113: {  	v29 =	vadd.s32 s19, v10;
	_ =	sdelay $0x3  }
0x114: {  	[tilespmem:v28+s12+$0x0] =	vst.idx.msk $0xffff, v1  }
0x115: {  	v28 =	vld.idx.msk [tilespmem:v29+s2+$0x0], $0xffff;
	_ =	sdelay $0x4  }
0x116: {  	v28 =	vadd.s32 v10, v28  }
0x117: {  	v29 =	vadd.s32 s19, v11;
	_ =	sdelay $0x3  }
0x118: {  	[tilespmem:v28+s12+$0x0] =	vst.idx.msk $0xffff, v1  }
0x119: {  	v28 =	vld.idx.msk [tilespmem:v29+s2+$0x0], $0xffff;
	_ =	sdelay $0x4  }
0x11a: {  	v28 =	vadd.s32 v11, v28  }
0x11b: {  	v29 =	vadd.s32 s19, v12;
	_ =	sdelay $0x3  }
0x11c: {  	[tilespmem:v28+s12+$0x0] =	vst.idx.msk $0xffff, v1  }
0x11d: {  	v28 =	vld.idx.msk [tilespmem:v29+s2+$0x0], $0xffff;
	_ =	sdelay $0x4  }
0x11e: {  	v28 =	vadd.s32 v12, v28  }
0x11f: {  	v29 =	vadd.s32 s19, v13;
	_ =	sdelay $0x3  }
0x120: {  	[tilespmem:v28+s12+$0x0] =	vst.idx.msk $0xffff, v1  }
0x121: {  	v28 =	vld.idx.msk [tilespmem:v29+s2+$0x0], $0xffff;
	_ =	sdelay $0x4  }
0x122: {  	v28 =	vadd.s32 v13, v28  }
0x123: {  	v29 =	vadd.s32 s19, v14;
	_ =	sdelay $0x3  }
0x124: {  	[tilespmem:v28+s12+$0x0] =	vst.idx.msk $0xffff, v1  }
0x125: {  	v28 =	vld.idx.msk [tilespmem:v29+s2+$0x0], $0xffff;
	_ =	sdelay $0x2  }
0x126: {  	s31 =	sadd.s32 $0x3, s16  }
0x127: {  	v29 =	vmov s31  }
0x128: {  	v29 =	vand.u32 $0xFF, v29;
	v28 =	vadd.s32 v14, v28  }
0x129: {  	v52 =	vadd.s32 v0, v29;
	_ =	sdelay $0x3  }
0x12a: {  	[tilespmem:v28+s12+$0x0] =	vst.idx.msk $0xffff, v1  }
0x12b: {  	v28 =	vld.idx.msk [tilespmem:v52+s2+$0x0], $0xffff;
	_ =	sdelay $0x4  }
0x12c: {  	v28 =	vadd.s32 v0, v28  }
0x12d: {  	v53 =	vadd.s32 v3, v29;
	_ =	sdelay $0x3  }
0x12e: {  	[tilespmem:v28+s12+$0x0] =	vst.idx.msk $0xffff, v2  }
0x12f: {  	v28 =	vld.idx.msk [tilespmem:v53+s2+$0x0], $0xffff;
	_ =	sdelay $0x4  }
0x130: {  	v28 =	vadd.s32 v3, v28  }
0x131: {  	v54 =	vadd.s32 v4, v29;
	_ =	sdelay $0x3  }
0x132: {  	[tilespmem:v28+s12+$0x0] =	vst.idx.msk $0xffff, v2  }
0x133: {  	v28 =	vld.idx.msk [tilespmem:v54+s2+$0x0], $0xffff;
	_ =	sdelay $0x4  }
0x134: {  	v28 =	vadd.s32 v4, v28  }
0x135: {  	v55 =	vadd.s32 v5, v29;
	_ =	sdelay $0x3  }
0x136: {  	[tilespmem:v28+s12+$0x0] =	vst.idx.msk $0xffff, v2  }
0x137: {  	v28 =	vld.idx.msk [tilespmem:v55+s2+$0x0], $0xffff;
	_ =	sdelay $0x4  }
0x138: {  	v28 =	vadd.s32 v5, v28  }
0x139: {  	v56 =	vadd.s32 v6, v29;
	_ =	sdelay $0x3  }
0x13a: {  	[tilespmem:v28+s12+$0x0] =	vst.idx.msk $0xffff, v2  }
0x13b: {  	v28 =	vld.idx.msk [tilespmem:v56+s2+$0x0], $0xffff;
	_ =	sdelay $0x4  }
0x13c: {  	v28 =	vadd.s32 v6, v28  }
0x13d: {  	v57 =	vadd.s32 v7, v29;
	_ =	sdelay $0x3  }
0x13e: {  	[tilespmem:v28+s12+$0x0] =	vst.idx.msk $0xffff, v2  }
0x13f: {  	v28 =	vld.idx.msk [tilespmem:v57+s2+$0x0], $0xffff;
	_ =	sdelay $0x4  }
0x140: {  	v28 =	vadd.s32 v7, v28  }
0x141: {  	v58 =	vadd.s32 v8, v29;
	_ =	sdelay $0x3  }
0x142: {  	[tilespmem:v28+s12+$0x0] =	vst.idx.msk $0xffff, v2  }
0x143: {  	v28 =	vld.idx.msk [tilespmem:v58+s2+$0x0], $0xffff;
	_ =	sdelay $0x4  }
0x144: {  	v28 =	vadd.s32 v8, v28  }
0x145: {  	v59 =	vadd.s32 v9, v29;
	_ =	sdelay $0x3  }
0x146: {  	[tilespmem:v28+s12+$0x0] =	vst.idx.msk $0xffff, v2  }
0x147: {  	v28 =	vld.idx.msk [tilespmem:v59+s2+$0x0], $0xffff;
	_ =	sdelay $0x4  }
0x148: {  	v28 =	vadd.s32 v9, v28  }
0x149: {  	v60 =	vadd.s32 v10, v29;
	_ =	sdelay $0x3  }
0x14a: {  	[tilespmem:v28+s12+$0x0] =	vst.idx.msk $0xffff, v2  }
0x14b: {  	v28 =	vld.idx.msk [tilespmem:v60+s2+$0x0], $0xffff;
	_ =	sdelay $0x4  }
0x14c: {  	v28 =	vadd.s32 v10, v28  }
0x14d: {  	v61 =	vadd.s32 v11, v29;
	_ =	sdelay $0x3  }
0x14e: {  	[tilespmem:v28+s12+$0x0] =	vst.idx.msk $0xffff, v2  }
0x14f: {  	v28 =	vld.idx.msk [tilespmem:v61+s2+$0x0], $0xffff;
	_ =	sdelay $0x4  }
0x150: {  	v28 =	vadd.s32 v11, v28  }
0x151: {  	v62 =	vadd.s32 v12, v29;
	_ =	sdelay $0x3  }
0x152: {  	[tilespmem:v28+s12+$0x0] =	vst.idx.msk $0xffff, v2  }
0x153: {  	v28 =	vld.idx.msk [tilespmem:v62+s2+$0x0], $0xffff;
	_ =	sdelay $0x4  }
0x154: {  	v28 =	vadd.s32 v12, v28  }
0x155: {  	v63 =	vadd.s32 v13, v29;
	_ =	sdelay $0x3  }
0x156: {  	[tilespmem:v28+s12+$0x0] =	vst.idx.msk $0xffff, v2  }
0x157: {  	v28 =	vld.idx.msk [tilespmem:v63+s2+$0x0], $0xffff;
	_ =	sdelay $0x4  }
0x158: {  	v28 =	vadd.s32 v13, v28  }
0x159: {  	v29 =	vadd.s32 v14, v29;
	_ =	sdelay $0x3  }
0x15a: {  	[tilespmem:v28+s12+$0x0] =	vst.idx.msk $0xffff, v2  }
0x15b: {  	v28 =	vld.idx.msk [tilespmem:v29+s2+$0x0], $0xffff;
	_ =	sdelay $0x4  }
0x15c: {  	v28 =	vadd.s32 v14, v28;
	_ =	sdelay $0x1  }
0x15d: {  	p0 =	sne.s32 s16, $0x7C  }
.Ltmp2:
0x15e: {  	_ = 	snop;
	(pc) =	sbr.rel @p0 .LBB2_6-.Ltmp2, $4  }
0x15f: {  	_ = 	snop  }
0x160: {  	[tilespmem:v28+s12+$0x0] =	vst.idx.msk $0xffff, v2  }
0x161: {  	[hbm4b:s17+s2] =	stream.linear.scatter [tilespmem:s12], [sflag:$0x2], $0x6400, $0x38;
	[tilespmem:$0x12C00] =	vst v63  }
0x162: {  	s16 =	smov.u32 s18;
	s17 =	sadd.s32 $0x1900, s17  }
0x163: {  	s15 =	sadd.s32 $0x1, s15  }
0x164: {  	_ =	swait.ge [sflag:s13], $0x6400;
	p0 =	sne.s32 s15, s6  }
.Ltmp3:
0x165: {  	[sflag:s13] =	ssyncset.done $0x0;
	(pc) =	sbr.rel @p0 .LBB2_1-.Ltmp3, $4  }
0x166: {  	[sflag:s13] =	ssyncadd.s32 $0xFFFF9C00  }
0x167: {  	_ =	swait.ge [sflag:s14], $0x6400  }
0x168: {  	[sflag:s14] =	ssyncset.done $0x0  }
0x169: {  	[sflag:s14] =	ssyncadd.s32 $0xFFFF9C00  }
0x16a: {  	_ =	sfence.sel $0x180000  }
0x16b: {  	[bflag:$0x0] =	sbarrier.arrive $0xFFFF  }
0x16c: {  	p0 =	sne.s32 s0, $0x0;
	_ =	strace $0x90000047  }
0x16d: {  	s0 =	sadd.s32 @!p0 $0x100000, s1;
	[bflag:$0x2] =	sbarrier.arrive $0xFFFF  }
0x16e: {  	[sflag:s0] =	ssyncadd.tile.s32 @!p0 $0x1;
	_ =	shalt  }
.Lfunc_end2:
_tile_overlayer_lowered:
.L_overlay_start_2:
0x16f: {  	(tag) =	ssettag $0x2  }
0x170: {  	s0 =	rddreg [dreg:$0x0];
	s2 =	stileid.u32  }
0x171: {  	s1 =	rddreg [dreg:$0x1];
	p0 =	sne.s32 s2, $0x0  }
0x172: {  	s3 =	rddreg [dreg:$0x2];
	[bflag:$0x3] =	sbarrier.arrive $0xFFFF;
	s2 =	simm.s32 @!p0 $0x1C03  }
0x173: {  	[timem:s3], [sflag:s2] =	dma.local @!p0 [hbm:s0], s1  }
0x174: {  	s0 =	simm.s32 @!p0 $0x3  }
0x175: {  	_ =	swait.ge @!p0 [sflag:s0], s1  }
0x176: {  	s1 =	ssub.s32 @!p0 $0x0, s1;
	[sflag:s0] =	ssyncset.done @!p0 $0x0  }
0x177: {  	[sflag:s0] =	ssyncadd.s32 @!p0 s1  }
0x178: {  	[bflag:$0x3] =	sbarrier.arrive $0xFFFF  }
0x179: {  	_ =	shalt  }

</sc_bundles>
